<compile_context>
chip_gen: v7x
topology: tpu7x:2x2x1
jax: 0.10.2.dev20260603
libtpu: 0.0.44.dev20260713+nightly
codegen_flags: <defaults>
</compile_context>

<pallas_src>
import functools

import jax
import jax.numpy as jnp
from jax import lax
from jax.experimental import pallas as pl
from jax.experimental.pallas import tpu as pltpu
from jax.experimental.pallas import tpu_sc as plsc

N_NODES = 10000
N_EDGES = 320000
D_FEAT = 128
D_HID = 64

NC = 2
NS = 16
NW = NC * NS
EPT = N_EDGES // NS
CHUNK = 128
NCH = -(-EPT // CHUNK)
EPAD = NCH * CHUNK - EPT
NPAD = 10240
DUMP_ROW = NPAD - 8
RPT = NPAD // NS
DH2 = D_FEAT // 2


def _sc_aggregate(x64, src3, dst3, ones_rows):
    mesh = plsc.VectorSubcoreMesh(core_axis_name="c", subcore_axis_name="s")

    @functools.partial(
        pl.kernel,
        out_type=[
            jax.ShapeDtypeStruct((NPAD, D_FEAT), jnp.float32),
            jax.ShapeDtypeStruct((NPAD, D_FEAT), jnp.float32),
        ],
        mesh=mesh,
        compiler_params=pltpu.CompilerParams(
            needs_layout_passes=False, use_tc_tiling_on_sc=False),
        scratch_types=[
            pltpu.VMEM((NCH, CHUNK), jnp.int32),
            pltpu.VMEM((NCH, CHUNK), jnp.int32),
            pltpu.VMEM((4, CHUNK, DH2), jnp.float32),
            pltpu.VMEM((80, DH2), jnp.float32),
            pltpu.VMEM((CHUNK, 8), jnp.float32),
            pltpu.VMEM_SHARED((NPAD, DH2), jnp.float32),
            pltpu.VMEM_SHARED((NPAD, 8), jnp.float32),
            pltpu.SemaphoreType.DMA,
            pltpu.SemaphoreType.DMA,
            pltpu.SemaphoreType.DMA,
        ],
    )
    def k(x_hbm, src_hbm, dst_hbm, ones_hbm, agg_out, deg_out,
          src_v, dst_v, rows_v, zbuf_v, ones_v, agg_sh, deg_sh,
          gsem, ssem, dsem):
        cid = lax.axis_index("c")
        sid = lax.axis_index("s")
        z16 = jnp.zeros((16,), jnp.float32)

        pltpu.sync_copy(src_hbm.at[sid], src_v)
        pltpu.sync_copy(dst_hbm.at[sid], dst_v)
        pltpu.sync_copy(ones_hbm, ones_v)

        cvec = jnp.full((16,), cid, jnp.int32)
        def xform(j, c):
            for q in range(CHUNK // 16):
                sl = pl.ds(q * 16, 16)
                src_v[j, sl] = src_v[j, sl] * 2 + cvec
            return c
        lax.fori_loop(0, 4, xform, 0)

        for p in range(4):
            pltpu.async_copy(x_hbm.at[src_v.at[p]], rows_v.at[p], gsem)
        lax.fori_loop(4, NCH, xform, 0)

        def zrow(r, c):
            for q in range(DH2 // 16):
                zbuf_v[r, pl.ds(q * 16, 16)] = z16
            return c
        lax.fori_loop(0, 80, zrow, 0)

        def zsh(q, c):
            pltpu.sync_copy(zbuf_v,
                            agg_sh.at[pl.ds(sid * RPT + q * 80, 80)])
            return c
        lax.fori_loop(0, RPT // 80, zsh, 0)

        for z in range(8):
            pltpu.sync_copy(zbuf_v.at[:, pl.ds(0, 8)],
                            deg_sh.at[pl.ds(sid * RPT + 80 * z, 80)])
        plsc.subcore_barrier()

        def body(j, carry):
            b = lax.rem(j, 4)
            pltpu.make_async_copy(
                x_hbm.at[src_v.at[j]], rows_v.at[b], gsem).wait()
            pltpu.async_copy(
                rows_v.at[b], agg_sh.at[dst_v.at[j]], ssem, add=True)

            parity_mine = lax.rem(j, 2) == cid

            @pl.when(parity_mine)
            def _():
                pltpu.async_copy(
                    ones_v, deg_sh.at[dst_v.at[j]], dsem, add=True)

            @pl.when(jnp.logical_and(parity_mine, j >= 2))
            def _():
                pltpu.make_async_copy(
                    ones_v, deg_sh.at[dst_v.at[0]], dsem).wait()

            @pl.when(j >= 2)
            def _():
                pltpu.make_async_copy(
                    rows_v.at[lax.rem(j + 2, 4)],
                    agg_sh.at[dst_v.at[j - 2]], ssem).wait()

            @pl.when(jnp.logical_and(j >= 2, j + 2 < NCH))
            def _():
                pltpu.async_copy(
                    x_hbm.at[src_v.at[j + 2]],
                    rows_v.at[lax.rem(j + 2, 4)], gsem)
            return carry

        lax.fori_loop(0, NCH, body, 0)
        pltpu.make_async_copy(
            rows_v.at[(NCH - 2) % 4],
            agg_sh.at[dst_v.at[NCH - 2]], ssem).wait()
        pltpu.make_async_copy(
            rows_v.at[(NCH - 1) % 4],
            agg_sh.at[dst_v.at[NCH - 1]], ssem).wait()
        pltpu.make_async_copy(
            ones_v, deg_sh.at[dst_v.at[0]], dsem).wait()
        plsc.subcore_barrier()

        sl = pl.ds(sid * RPT, RPT)
        pltpu.sync_copy(agg_sh.at[sl],
                        agg_out.at[sl, pl.ds(cid * DH2, DH2)])
        pltpu.sync_copy(deg_sh.at[sl],
                        deg_out.at[sl, pl.ds(cid * 8, 8)])

    return k(x64, src3, dst3, ones_rows)


BLK = 1000


def _tc_dense(agg, deg, W_enc, b_enc, W_dec, b_dec):
    nblk = N_NODES // BLK

    def body(agg_ref, deg_ref, we_ref, be_ref, wd_ref, bd_ref,
             recon_ref, bott_ref, loss_ref, acc_ref):
        i = pl.program_id(0)
        a = agg_ref[...]
        d = deg_ref[:, 0:1] + deg_ref[:, 8:9]
        h = a / jnp.maximum(d, 1.0)
        e = jnp.maximum(
            jnp.dot(h, we_ref[...], preferred_element_type=jnp.float32)
            + be_ref[...], 0.0)
        r = jnp.maximum(
            jnp.dot(e, wd_ref[...], preferred_element_type=jnp.float32)
            + bd_ref[...], 0.0)
        recon_ref[...] = r
        bott_ref[...] = e
        df = r - h
        ps = jnp.sum(df * df)

        @pl.when(i == 0)
        def _():
            acc_ref[0, 0] = 0.0

        acc_ref[0, 0] = acc_ref[0, 0] + ps

        @pl.when(i == nblk - 1)
        def _():
            loss_ref[...] = jnp.full(
                (1, 1), acc_ref[0, 0] * (1.0 / (N_NODES * D_FEAT)), jnp.float32)

    recon, bott, loss = pl.pallas_call(
        body,
        grid=(nblk,),
        in_specs=[
            pl.BlockSpec((BLK, D_FEAT), lambda i: (i, 0)),
            pl.BlockSpec((BLK, D_FEAT), lambda i: (i, 0)),
            pl.BlockSpec((D_FEAT, D_HID), lambda i: (0, 0)),
            pl.BlockSpec((1, D_HID), lambda i: (0, 0)),
            pl.BlockSpec((D_HID, D_FEAT), lambda i: (0, 0)),
            pl.BlockSpec((1, D_FEAT), lambda i: (0, 0)),
        ],
        out_specs=[
            pl.BlockSpec((BLK, D_FEAT), lambda i: (i, 0)),
            pl.BlockSpec((BLK, D_HID), lambda i: (i, 0)),
            pl.BlockSpec((1, 1), lambda i: (0, 0)),
        ],
        out_shape=[
            jax.ShapeDtypeStruct((N_NODES, D_FEAT), jnp.float32),
            jax.ShapeDtypeStruct((N_NODES, D_HID), jnp.float32),
            jax.ShapeDtypeStruct((1, 1), jnp.float32),
        ],
        scratch_shapes=[pltpu.SMEM((1, 1), jnp.float32)],
    )(agg, deg, W_enc, b_enc.reshape(1, D_HID), W_dec, b_dec.reshape(1, D_FEAT))
    return recon, bott, loss[0, 0]


def kernel(x, edge_index, W_enc, b_enc, W_dec, b_dec):
    ei = edge_index.astype(jnp.int32)
    srcw = ei[0].reshape(NS, EPT)
    dstw = ei[1].reshape(NS, EPT)
    srcw = jnp.pad(srcw, ((0, 0), (0, EPAD)))
    dstw = jnp.pad(dstw, ((0, 0), (0, EPAD)), constant_values=DUMP_ROW)
    src3 = srcw.reshape(NS, NCH, CHUNK)
    dst3 = dstw.reshape(NS, NCH, CHUNK)
    x64 = x.reshape(2 * N_NODES, DH2)
    ones_rows = jnp.ones((CHUNK, 8), jnp.float32)
    agg, deg = _sc_aggregate(x64, src3, dst3, ones_rows)
    recon, bott, loss = _tc_dense(agg, deg, W_enc, b_enc, W_dec, b_dec)
    return (recon, bott, loss)

# --- scband reference (transcript-rebuilt; emitter-appended) ---
"""Pipeline reference for scband-graph-autoencoder-61349312856690 (READ-ONLY COPY).

The authoritative reference and input builder live on the scoring server;
editing this copy changes nothing except your own understanding.
"""

import jax, jax.numpy as jnp
import numpy as np

N_NODES = 10000
N_EDGES = 320000
D_FEAT = 128
D_HID = 64


def setup_inputs(seed: int = 0) -> dict:
    key = jax.random.key(seed)
    k1, k2, k3, k4, k5, k6 = jax.random.split(key, 6)
    x = jax.random.normal(k1, (N_NODES, D_FEAT), dtype=jnp.float32)
    edge_index = jax.random.randint(k2, (2, N_EDGES), 0, N_NODES, dtype=jnp.int64)
    # learned parameters: one encoding layer (d_feat -> d_hid), one decoding layer (d_hid -> d_feat)
    W_enc = jax.random.normal(k3, (D_FEAT, D_HID), dtype=jnp.float32) * (1.0 / np.sqrt(D_FEAT))
    b_enc = jnp.zeros((D_HID,), dtype=jnp.float32)
    W_dec = jax.random.normal(k4, (D_HID, D_FEAT), dtype=jnp.float32) * (1.0 / np.sqrt(D_HID))
    b_dec = jnp.zeros((D_FEAT,), dtype=jnp.float32)
    return {"x": x, "edge_index": edge_index, "W_enc": W_enc, "b_enc": b_enc, "W_dec": W_dec, "b_dec": b_dec}


def reference(x, edge_index, W_enc, b_enc, W_dec, b_dec):
    # Graph autoencoder forward:
    # 1) message passing: mean-aggregate source node features into destination nodes
    src = edge_index[0]
    dst = edge_index[1]
    msgs = x[src]  # gather [E, d]
    agg = jnp.zeros_like(x).at[dst].add(msgs)  # scatter-add [N, d]
    deg = jnp.zeros((x.shape[0],), dtype=x.dtype).at[dst].add(1.0)
    h = agg / jnp.clip(deg, 1.0)[:, None]
    y = h  # reconstruction target (post-aggregation node representation)
    # 2) encode
    h = jax.nn.relu(h @ W_enc + b_enc)
    bottleneck = jax.lax.stop_gradient(h)
    # 3) decode
    recon = jax.nn.relu(h @ W_dec + b_dec)
    # 4) MSE reconstruction loss
    loss = jnp.mean((recon - y) ** 2)
    return (recon, bottleneck, loss)

if __name__ == "__main__":
    import jax
    _d = setup_inputs()
    print(jax.jit(kernel)(*tuple(_d.values())))

</pallas_src>

<mosaic_0001>
#map = affine_map<(d0, d1) -> (0, 0)>
#map1 = affine_map<(d0, d1) -> (0, 0, 0)>
module attributes {stable_mosaic.version = 14 : i64} {
  func.func @k(%arg0: i32, %arg1: i32, %arg2: memref<20000x64xf32, #tpu.memory_space<hbm>>, %arg3: memref<16x157x128xi32, #tpu.memory_space<hbm>>, %arg4: memref<16x157x128xi32, #tpu.memory_space<hbm>>, %arg5: memref<128x8xf32, #tpu.memory_space<hbm>>, %arg6: memref<10240x128xf32, #tpu.memory_space<hbm>>, %arg7: memref<10240x128xf32, #tpu.memory_space<hbm>>, %arg8: memref<157x128xi32, #tpu.memory_space<vmem>>, %arg9: memref<157x128xi32, #tpu.memory_space<vmem>>, %arg10: memref<4x128x64xf32, #tpu.memory_space<vmem>>, %arg11: memref<80x64xf32, #tpu.memory_space<vmem>>, %arg12: memref<128x8xf32, #tpu.memory_space<vmem>>, %arg13: memref<10240x64xf32, #tpu.memory_space<vmem_shared>>, %arg14: memref<10240x8xf32, #tpu.memory_space<vmem_shared>>, %arg15: memref<!tpu.dma_semaphore, #tpu.memory_space<semaphore_mem>>, %arg16: memref<!tpu.dma_semaphore, #tpu.memory_space<semaphore_mem>>, %arg17: memref<!tpu.dma_semaphore, #tpu.memory_space<semaphore_mem>>) attributes {dimension_semantics = [#tpu.dimension_semantics<core_parallel>, #tpu.dimension_semantics<subcore_parallel>], iteration_bounds = array<i64: 2, 16>, scalar_prefetch = 0 : i64, scratch_operands = 10 : i64, tpu.core_type = #tpu.core_type<sc_vector_subcore>, window_params = [{transform_indices = #map}, {transform_indices = #map1}, {transform_indices = #map1}, {transform_indices = #map}, {transform_indices = #map}, {transform_indices = #map}]} {
    %broadcast_in_dim3A = arith.constant 0.000000e+00 : f32
    %broadcast_in_dim3A_0 = vector.broadcast %broadcast_in_dim3A : f32 to vector<16xf32>
    "tpu.region"() ({
      %run_scoped3A = tpu.sem_alloc : memref<!tpu.dma_semaphore, #tpu.memory_space<semaphore_mem>>
      %dma_start3A_145 = arith.constant 0 : i32
      %dma_start3A_146 = arith.constant 0 : i32
      %dma_start3A_147 = tpu.memref_slice %arg3[%arg1, %dma_start3A_145, %dma_start3A_146] : memref<16x157x128xi32, #tpu.memory_space<hbm>> -> memref<1x157x128xi32, #tpu.memory_space<hbm>>
      %dma_start3A_148 = tpu.memref_squeeze %dma_start3A_147 : memref<1x157x128xi32, #tpu.memory_space<hbm>> -> memref<157x128xi32, #tpu.memory_space<hbm>>
      %dma_start3A_149 = arith.constant 0 : i32
      %dma_start3A_150 = arith.constant 0 : i32
      %dma_start3A_151 = tpu.memref_slice %arg3[%arg1, %dma_start3A_149, %dma_start3A_150] : memref<16x157x128xi32, #tpu.memory_space<hbm>> -> memref<1x157x128xi32, #tpu.memory_space<hbm>>
      %dma_start3A_152 = tpu.memref_squeeze %dma_start3A_151 : memref<1x157x128xi32, #tpu.memory_space<hbm>> -> memref<157x128xi32, #tpu.memory_space<hbm>>
      tpu.enqueue_dma source(%dma_start3A_152 : memref<157x128xi32, #tpu.memory_space<hbm>>) target(%arg8 : memref<157x128xi32, #tpu.memory_space<vmem>>) target_semaphore(%run_scoped3A : memref<!tpu.dma_semaphore, #tpu.memory_space<semaphore_mem>>)
      %dma_wait3A_153 = arith.constant 0 : i32
      %dma_wait3A_154 = arith.constant 0 : i32
      %dma_wait3A_155 = tpu.memref_slice %arg3[%arg1, %dma_wait3A_153, %dma_wait3A_154] : memref<16x157x128xi32, #tpu.memory_space<hbm>> -> memref<1x157x128xi32, #tpu.memory_space<hbm>>
      %dma_wait3A_156 = tpu.memref_squeeze %dma_wait3A_155 : memref<1x157x128xi32, #tpu.memory_space<hbm>> -> memref<157x128xi32, #tpu.memory_space<hbm>>
      %dma_wait3A_157 = arith.constant 0 : i32
      %dma_wait3A_158 = arith.constant 0 : i32
      %dma_wait3A_159 = tpu.memref_slice %arg3[%arg1, %dma_wait3A_157, %dma_wait3A_158] : memref<16x157x128xi32, #tpu.memory_space<hbm>> -> memref<1x157x128xi32, #tpu.memory_space<hbm>>
      %dma_wait3A_160 = tpu.memref_squeeze %dma_wait3A_159 : memref<1x157x128xi32, #tpu.memory_space<hbm>> -> memref<157x128xi32, #tpu.memory_space<hbm>>
      tpu.wait_dma2 semaphore(%run_scoped3A : memref<!tpu.dma_semaphore, #tpu.memory_space<semaphore_mem>>) src(%dma_wait3A_160 : memref<157x128xi32, #tpu.memory_space<hbm>>) dst(%arg8 : memref<157x128xi32, #tpu.memory_space<vmem>>)
      tpu.yield
    }) : () -> ()
    "tpu.region"() ({
      %run_scoped3A = tpu.sem_alloc : memref<!tpu.dma_semaphore, #tpu.memory_space<semaphore_mem>>
      %dma_start3A_145 = arith.constant 0 : i32
      %dma_start3A_146 = arith.constant 0 : i32
      %dma_start3A_147 = tpu.memref_slice %arg4[%arg1, %dma_start3A_145, %dma_start3A_146] : memref<16x157x128xi32, #tpu.memory_space<hbm>> -> memref<1x157x128xi32, #tpu.memory_space<hbm>>
      %dma_start3A_148 = tpu.memref_squeeze %dma_start3A_147 : memref<1x157x128xi32, #tpu.memory_space<hbm>> -> memref<157x128xi32, #tpu.memory_space<hbm>>
      %dma_start3A_149 = arith.constant 0 : i32
      %dma_start3A_150 = arith.constant 0 : i32
      %dma_start3A_151 = tpu.memref_slice %arg4[%arg1, %dma_start3A_149, %dma_start3A_150] : memref<16x157x128xi32, #tpu.memory_space<hbm>> -> memref<1x157x128xi32, #tpu.memory_space<hbm>>
      %dma_start3A_152 = tpu.memref_squeeze %dma_start3A_151 : memref<1x157x128xi32, #tpu.memory_space<hbm>> -> memref<157x128xi32, #tpu.memory_space<hbm>>
      tpu.enqueue_dma source(%dma_start3A_152 : memref<157x128xi32, #tpu.memory_space<hbm>>) target(%arg9 : memref<157x128xi32, #tpu.memory_space<vmem>>) target_semaphore(%run_scoped3A : memref<!tpu.dma_semaphore, #tpu.memory_space<semaphore_mem>>)
      %dma_wait3A_153 = arith.constant 0 : i32
      %dma_wait3A_154 = arith.constant 0 : i32
      %dma_wait3A_155 = tpu.memref_slice %arg4[%arg1, %dma_wait3A_153, %dma_wait3A_154] : memref<16x157x128xi32, #tpu.memory_space<hbm>> -> memref<1x157x128xi32, #tpu.memory_space<hbm>>
      %dma_wait3A_156 = tpu.memref_squeeze %dma_wait3A_155 : memref<1x157x128xi32, #tpu.memory_space<hbm>> -> memref<157x128xi32, #tpu.memory_space<hbm>>
      %dma_wait3A_157 = arith.constant 0 : i32
      %dma_wait3A_158 = arith.constant 0 : i32
      %dma_wait3A_159 = tpu.memref_slice %arg4[%arg1, %dma_wait3A_157, %dma_wait3A_158] : memref<16x157x128xi32, #tpu.memory_space<hbm>> -> memref<1x157x128xi32, #tpu.memory_space<hbm>>
      %dma_wait3A_160 = tpu.memref_squeeze %dma_wait3A_159 : memref<1x157x128xi32, #tpu.memory_space<hbm>> -> memref<157x128xi32, #tpu.memory_space<hbm>>
      tpu.wait_dma2 semaphore(%run_scoped3A : memref<!tpu.dma_semaphore, #tpu.memory_space<semaphore_mem>>) src(%dma_wait3A_160 : memref<157x128xi32, #tpu.memory_space<hbm>>) dst(%arg9 : memref<157x128xi32, #tpu.memory_space<vmem>>)
      tpu.yield
    }) : () -> ()
    "tpu.region"() ({
      %run_scoped3A = tpu.sem_alloc : memref<!tpu.dma_semaphore, #tpu.memory_space<semaphore_mem>>
      tpu.enqueue_dma source(%arg5 : memref<128x8xf32, #tpu.memory_space<hbm>>) target(%arg12 : memref<128x8xf32, #tpu.memory_space<vmem>>) target_semaphore(%run_scoped3A : memref<!tpu.dma_semaphore, #tpu.memory_space<semaphore_mem>>)
      tpu.wait_dma2 semaphore(%run_scoped3A : memref<!tpu.dma_semaphore, #tpu.memory_space<semaphore_mem>>) src(%arg5 : memref<128x8xf32, #tpu.memory_space<hbm>>) dst(%arg12 : memref<128x8xf32, #tpu.memory_space<vmem>>)
      tpu.yield
    }) : () -> ()
    %broadcast_in_dim3A_1 = vector.broadcast %arg0 : i32 to vector<16xi32>
    %scan3A = arith.constant 0 : i32
    %scan3A_2 = arith.constant 0 : i32
    %scan3A_3 = arith.constant 4 : i32
    %scan3A_4 = arith.addi %scan3A_2, %scan3A_3 : i32
    %scan3A_5 = arith.constant 1 : i32
    scf.for %scan3A_145 = %scan3A_2 to %scan3A_4 step %scan3A_5  : i32 {
      %get3A = arith.index_cast %scan3A_145 : i32 to index
      %get3A_146 = arith.constant 0 : index
      %get3A_147 = tpu.vector_load %arg8[%get3A, %get3A_146] {strides = array<i32>} : memref<157x128xi32, #tpu.memory_space<vmem>>, vector<16xi32>,
      %mul3A_148 = arith.constant 2 : i32
      %mul3A_149 = vector.broadcast %mul3A_148 : i32 to vector<16xi32>
      %mul3A_150 = arith.muli %get3A_147, %mul3A_149 : vector<16xi32>
      %add3A_151 = arith.addi %mul3A_150, %broadcast_in_dim3A_1 : vector<16xi32>
      %swap3A = arith.index_cast %scan3A_145 : i32 to index
      %swap3A_152 = arith.constant 0 : index
      %swap3A_153 = tpu.vector_load %arg8[%swap3A, %swap3A_152] {strides = array<i32>} : memref<157x128xi32, #tpu.memory_space<vmem>>, vector<16xi32>,
      tpu.vector_store %arg8[%swap3A, %swap3A_152], %add3A_151 {strides = array<i32>} : memref<157x128xi32, #tpu.memory_space<vmem>>, vector<16xi32>,
      %get3A_154 = arith.index_cast %scan3A_145 : i32 to index
      %get3A_155 = arith.constant 16 : index
      %get3A_156 = tpu.vector_load %arg8[%get3A_154, %get3A_155] {strides = array<i32>} : memref<157x128xi32, #tpu.memory_space<vmem>>, vector<16xi32>,
      %mul3A_157 = arith.constant 2 : i32
      %mul3A_158 = vector.broadcast %mul3A_157 : i32 to vector<16xi32>
      %mul3A_159 = arith.muli %get3A_156, %mul3A_158 : vector<16xi32>
      %add3A_160 = arith.addi %mul3A_159, %broadcast_in_dim3A_1 : vector<16xi32>
      %swap3A_161 = arith.index_cast %scan3A_145 : i32 to index
      %swap3A_162 = arith.constant 16 : index
      %swap3A_163 = tpu.vector_load %arg8[%swap3A_161, %swap3A_162] {strides = array<i32>} : memref<157x128xi32, #tpu.memory_space<vmem>>, vector<16xi32>,
      tpu.vector_store %arg8[%swap3A_161, %swap3A_162], %add3A_160 {strides = array<i32>} : memref<157x128xi32, #tpu.memory_space<vmem>>, vector<16xi32>,
      %get3A_164 = arith.index_cast %scan3A_145 : i32 to index
      %get3A_165 = arith.constant 32 : index
      %get3A_166 = tpu.vector_load %arg8[%get3A_164, %get3A_165] {strides = array<i32>} : memref<157x128xi32, #tpu.memory_space<vmem>>, vector<16xi32>,
      %mul3A_167 = arith.constant 2 : i32
      %mul3A_168 = vector.broadcast %mul3A_167 : i32 to vector<16xi32>
      %mul3A_169 = arith.muli %get3A_166, %mul3A_168 : vector<16xi32>
      %add3A_170 = arith.addi %mul3A_169, %broadcast_in_dim3A_1 : vector<16xi32>
      %swap3A_171 = arith.index_cast %scan3A_145 : i32 to index
      %swap3A_172 = arith.constant 32 : index
      %swap3A_173 = tpu.vector_load %arg8[%swap3A_171, %swap3A_172] {strides = array<i32>} : memref<157x128xi32, #tpu.memory_space<vmem>>, vector<16xi32>,
      tpu.vector_store %arg8[%swap3A_171, %swap3A_172], %add3A_170 {strides = array<i32>} : memref<157x128xi32, #tpu.memory_space<vmem>>, vector<16xi32>,
      %get3A_174 = arith.index_cast %scan3A_145 : i32 to index
      %get3A_175 = arith.constant 48 : index
      %get3A_176 = tpu.vector_load %arg8[%get3A_174, %get3A_175] {strides = array<i32>} : memref<157x128xi32, #tpu.memory_space<vmem>>, vector<16xi32>,
      %mul3A_177 = arith.constant 2 : i32
      %mul3A_178 = vector.broadcast %mul3A_177 : i32 to vector<16xi32>
      %mul3A_179 = arith.muli %get3A_176, %mul3A_178 : vector<16xi32>
      %add3A_180 = arith.addi %mul3A_179, %broadcast_in_dim3A_1 : vector<16xi32>
      %swap3A_181 = arith.index_cast %scan3A_145 : i32 to index
      %swap3A_182 = arith.constant 48 : index
      %swap3A_183 = tpu.vector_load %arg8[%swap3A_181, %swap3A_182] {strides = array<i32>} : memref<157x128xi32, #tpu.memory_space<vmem>>, vector<16xi32>,
      tpu.vector_store %arg8[%swap3A_181, %swap3A_182], %add3A_180 {strides = array<i32>} : memref<157x128xi32, #tpu.memory_space<vmem>>, vector<16xi32>,
      %get3A_184 = arith.index_cast %scan3A_145 : i32 to index
      %get3A_185 = arith.constant 64 : index
      %get3A_186 = tpu.vector_load %arg8[%get3A_184, %get3A_185] {strides = array<i32>} : memref<157x128xi32, #tpu.memory_space<vmem>>, vector<16xi32>,
      %mul3A_187 = arith.constant 2 : i32
      %mul3A_188 = vector.broadcast %mul3A_187 : i32 to vector<16xi32>
      %mul3A_189 = arith.muli %get3A_186, %mul3A_188 : vector<16xi32>
      %add3A_190 = arith.addi %mul3A_189, %broadcast_in_dim3A_1 : vector<16xi32>
      %swap3A_191 = arith.index_cast %scan3A_145 : i32 to index
      %swap3A_192 = arith.constant 64 : index
      %swap3A_193 = tpu.vector_load %arg8[%swap3A_191, %swap3A_192] {strides = array<i32>} : memref<157x128xi32, #tpu.memory_space<vmem>>, vector<16xi32>,
      tpu.vector_store %arg8[%swap3A_191, %swap3A_192], %add3A_190 {strides = array<i32>} : memref<157x128xi32, #tpu.memory_space<vmem>>, vector<16xi32>,
      %get3A_194 = arith.index_cast %scan3A_145 : i32 to index
      %get3A_195 = arith.constant 80 : index
      %get3A_196 = tpu.vector_load %arg8[%get3A_194, %get3A_195] {strides = array<i32>} : memref<157x128xi32, #tpu.memory_space<vmem>>, vector<16xi32>,
      %mul3A_197 = arith.constant 2 : i32
      %mul3A_198 = vector.broadcast %mul3A_197 : i32 to vector<16xi32>
      %mul3A_199 = arith.muli %get3A_196, %mul3A_198 : vector<16xi32>
      %add3A_200 = arith.addi %mul3A_199, %broadcast_in_dim3A_1 : vector<16xi32>
      %swap3A_201 = arith.index_cast %scan3A_145 : i32 to index
      %swap3A_202 = arith.constant 80 : index
      %swap3A_203 = tpu.vector_load %arg8[%swap3A_201, %swap3A_202] {strides = array<i32>} : memref<157x128xi32, #tpu.memory_space<vmem>>, vector<16xi32>,
      tpu.vector_store %arg8[%swap3A_201, %swap3A_202], %add3A_200 {strides = array<i32>} : memref<157x128xi32, #tpu.memory_space<vmem>>, vector<16xi32>,
      %get3A_204 = arith.index_cast %scan3A_145 : i32 to index
      %get3A_205 = arith.constant 96 : index
      %get3A_206 = tpu.vector_load %arg8[%get3A_204, %get3A_205] {strides = array<i32>} : memref<157x128xi32, #tpu.memory_space<vmem>>, vector<16xi32>,
      %mul3A_207 = arith.constant 2 : i32
      %mul3A_208 = vector.broadcast %mul3A_207 : i32 to vector<16xi32>
      %mul3A_209 = arith.muli %get3A_206, %mul3A_208 : vector<16xi32>
      %add3A_210 = arith.addi %mul3A_209, %broadcast_in_dim3A_1 : vector<16xi32>
      %swap3A_211 = arith.index_cast %scan3A_145 : i32 to index
      %swap3A_212 = arith.constant 96 : index
      %swap3A_213 = tpu.vector_load %arg8[%swap3A_211, %swap3A_212] {strides = array<i32>} : memref<157x128xi32, #tpu.memory_space<vmem>>, vector<16xi32>,
      tpu.vector_store %arg8[%swap3A_211, %swap3A_212], %add3A_210 {strides = array<i32>} : memref<157x128xi32, #tpu.memory_space<vmem>>, vector<16xi32>,
      %get3A_214 = arith.index_cast %scan3A_145 : i32 to index
      %get3A_215 = arith.constant 112 : index
      %get3A_216 = tpu.vector_load %arg8[%get3A_214, %get3A_215] {strides = array<i32>} : memref<157x128xi32, #tpu.memory_space<vmem>>, vector<16xi32>,
      %mul3A_217 = arith.constant 2 : i32
      %mul3A_218 = vector.broadcast %mul3A_217 : i32 to vector<16xi32>
      %mul3A_219 = arith.muli %get3A_216, %mul3A_218 : vector<16xi32>
      %add3A_220 = arith.addi %mul3A_219, %broadcast_in_dim3A_1 : vector<16xi32>
      %swap3A_221 = arith.index_cast %scan3A_145 : i32 to index
      %swap3A_222 = arith.constant 112 : index
      %swap3A_223 = tpu.vector_load %arg8[%swap3A_221, %swap3A_222] {strides = array<i32>} : memref<157x128xi32, #tpu.memory_space<vmem>>, vector<16xi32>,
      tpu.vector_store %arg8[%swap3A_221, %swap3A_222], %add3A_220 {strides = array<i32>} : memref<157x128xi32, #tpu.memory_space<vmem>>, vector<16xi32>,
    }
    %scan3A_6 = arith.constant 4 : i32
    %dma_start3A = arith.constant 0 : i32
    %dma_start3A_7 = arith.constant 0 : i32
    %dma_start3A_8 = arith.constant 0 : i32
    %dma_start3A_9 = arith.constant 0 : i32
    %dma_start3A_10 = tpu.memref_slice %arg10[%dma_start3A_7, %dma_start3A_8, %dma_start3A_9] : memref<4x128x64xf32, #tpu.memory_space<vmem>> -> memref<1x128x64xf32, #tpu.memory_space<vmem>>
    %dma_start3A_11 = tpu.memref_squeeze %dma_start3A_10 : memref<1x128x64xf32, #tpu.memory_space<vmem>> -> memref<128x64xf32, #tpu.memory_space<vmem>>
    %dma_start3A_12 = arith.constant 0 : i32
    %dma_start3A_13 = tpu.memref_slice %arg8[%dma_start3A, %dma_start3A_12] : memref<157x128xi32, #tpu.memory_space<vmem>> -> memref<1x128xi32, #tpu.memory_space<vmem>>
    %dma_start3A_14 = tpu.memref_squeeze %dma_start3A_13 : memref<1x128xi32, #tpu.memory_space<vmem>> -> memref<128xi32, #tpu.memory_space<vmem>>
    %dma_start3A_15 = arith.constant 0 : i32
    %dma_start3A_16 = arith.constant 0 : i32
    %dma_start3A_17 = tpu.memref_slice %arg2[%dma_start3A_15, %dma_start3A_16] : memref<20000x64xf32, #tpu.memory_space<hbm>> -> memref<20000x64xf32, #tpu.memory_space<hbm>>
    tpu.enqueue_indirect_dma source(%dma_start3A_17 : memref<20000x64xf32, #tpu.memory_space<hbm>>) target(%dma_start3A_11 : memref<128x64xf32, #tpu.memory_space<vmem>>) offsets(%dma_start3A_14 : memref<128xi32, #tpu.memory_space<vmem>>) semaphore(%arg15 : memref<!tpu.dma_semaphore, #tpu.memory_space<semaphore_mem>>)
    %dma_start3A_18 = arith.constant 1 : i32
    %dma_start3A_19 = arith.constant 1 : i32
    %dma_start3A_20 = arith.constant 0 : i32
    %dma_start3A_21 = arith.constant 0 : i32
    %dma_start3A_22 = tpu.memref_slice %arg10[%dma_start3A_19, %dma_start3A_20, %dma_start3A_21] : memref<4x128x64xf32, #tpu.memory_space<vmem>> -> memref<1x128x64xf32, #tpu.memory_space<vmem>>
    %dma_start3A_23 = tpu.memref_squeeze %dma_start3A_22 : memref<1x128x64xf32, #tpu.memory_space<vmem>> -> memref<128x64xf32, #tpu.memory_space<vmem>>
    %dma_start3A_24 = arith.constant 0 : i32
    %dma_start3A_25 = tpu.memref_slice %arg8[%dma_start3A_18, %dma_start3A_24] : memref<157x128xi32, #tpu.memory_space<vmem>> -> memref<1x128xi32, #tpu.memory_space<vmem>>
    %dma_start3A_26 = tpu.memref_squeeze %dma_start3A_25 : memref<1x128xi32, #tpu.memory_space<vmem>> -> memref<128xi32, #tpu.memory_space<vmem>>
    %dma_start3A_27 = arith.constant 0 : i32
    %dma_start3A_28 = arith.constant 0 : i32
    %dma_start3A_29 = tpu.memref_slice %arg2[%dma_start3A_27, %dma_start3A_28] : memref<20000x64xf32, #tpu.memory_space<hbm>> -> memref<20000x64xf32, #tpu.memory_space<hbm>>
    tpu.enqueue_indirect_dma source(%dma_start3A_29 : memref<20000x64xf32, #tpu.memory_space<hbm>>) target(%dma_start3A_23 : memref<128x64xf32, #tpu.memory_space<vmem>>) offsets(%dma_start3A_26 : memref<128xi32, #tpu.memory_space<vmem>>) semaphore(%arg15 : memref<!tpu.dma_semaphore, #tpu.memory_space<semaphore_mem>>)
    %dma_start3A_30 = arith.constant 2 : i32
    %dma_start3A_31 = arith.constant 2 : i32
    %dma_start3A_32 = arith.constant 0 : i32
    %dma_start3A_33 = arith.constant 0 : i32
    %dma_start3A_34 = tpu.memref_slice %arg10[%dma_start3A_31, %dma_start3A_32, %dma_start3A_33] : memref<4x128x64xf32, #tpu.memory_space<vmem>> -> memref<1x128x64xf32, #tpu.memory_space<vmem>>
    %dma_start3A_35 = tpu.memref_squeeze %dma_start3A_34 : memref<1x128x64xf32, #tpu.memory_space<vmem>> -> memref<128x64xf32, #tpu.memory_space<vmem>>
    %dma_start3A_36 = arith.constant 0 : i32
    %dma_start3A_37 = tpu.memref_slice %arg8[%dma_start3A_30, %dma_start3A_36] : memref<157x128xi32, #tpu.memory_space<vmem>> -> memref<1x128xi32, #tpu.memory_space<vmem>>
    %dma_start3A_38 = tpu.memref_squeeze %dma_start3A_37 : memref<1x128xi32, #tpu.memory_space<vmem>> -> memref<128xi32, #tpu.memory_space<vmem>>
    %dma_start3A_39 = arith.constant 0 : i32
    %dma_start3A_40 = arith.constant 0 : i32
    %dma_start3A_41 = tpu.memref_slice %arg2[%dma_start3A_39, %dma_start3A_40] : memref<20000x64xf32, #tpu.memory_space<hbm>> -> memref<20000x64xf32, #tpu.memory_space<hbm>>
    tpu.enqueue_indirect_dma source(%dma_start3A_41 : memref<20000x64xf32, #tpu.memory_space<hbm>>) target(%dma_start3A_35 : memref<128x64xf32, #tpu.memory_space<vmem>>) offsets(%dma_start3A_38 : memref<128xi32, #tpu.memory_space<vmem>>) semaphore(%arg15 : memref<!tpu.dma_semaphore, #tpu.memory_space<semaphore_mem>>)
    %dma_start3A_42 = arith.constant 3 : i32
    %dma_start3A_43 = arith.constant 3 : i32
    %dma_start3A_44 = arith.constant 0 : i32
    %dma_start3A_45 = arith.constant 0 : i32
    %dma_start3A_46 = tpu.memref_slice %arg10[%dma_start3A_43, %dma_start3A_44, %dma_start3A_45] : memref<4x128x64xf32, #tpu.memory_space<vmem>> -> memref<1x128x64xf32, #tpu.memory_space<vmem>>
    %dma_start3A_47 = tpu.memref_squeeze %dma_start3A_46 : memref<1x128x64xf32, #tpu.memory_space<vmem>> -> memref<128x64xf32, #tpu.memory_space<vmem>>
    %dma_start3A_48 = arith.constant 0 : i32
    %dma_start3A_49 = tpu.memref_slice %arg8[%dma_start3A_42, %dma_start3A_48] : memref<157x128xi32, #tpu.memory_space<vmem>> -> memref<1x128xi32, #tpu.memory_space<vmem>>
    %dma_start3A_50 = tpu.memref_squeeze %dma_start3A_49 : memref<1x128xi32, #tpu.memory_space<vmem>> -> memref<128xi32, #tpu.memory_space<vmem>>
    %dma_start3A_51 = arith.constant 0 : i32
    %dma_start3A_52 = arith.constant 0 : i32
    %dma_start3A_53 = tpu.memref_slice %arg2[%dma_start3A_51, %dma_start3A_52] : memref<20000x64xf32, #tpu.memory_space<hbm>> -> memref<20000x64xf32, #tpu.memory_space<hbm>>
    tpu.enqueue_indirect_dma source(%dma_start3A_53 : memref<20000x64xf32, #tpu.memory_space<hbm>>) target(%dma_start3A_47 : memref<128x64xf32, #tpu.memory_space<vmem>>) offsets(%dma_start3A_50 : memref<128xi32, #tpu.memory_space<vmem>>) semaphore(%arg15 : memref<!tpu.dma_semaphore, #tpu.memory_space<semaphore_mem>>)
    %scan3A_54 = arith.constant 0 : i32
    %scan3A_55 = arith.constant 4 : i32
    %scan3A_56 = arith.constant 153 : i32
    %scan3A_57 = arith.addi %scan3A_55, %scan3A_56 : i32
    %scan3A_58 = arith.constant 1 : i32
    scf.for %scan3A_145 = %scan3A_55 to %scan3A_57 step %scan3A_58  : i32 {
      %get3A = arith.index_cast %scan3A_145 : i32 to index
      %get3A_146 = arith.constant 0 : index
      %get3A_147 = tpu.vector_load %arg8[%get3A, %get3A_146] {strides = array<i32>} : memref<157x128xi32, #tpu.memory_space<vmem>>, vector<16xi32>,
      %mul3A_148 = arith.constant 2 : i32
      %mul3A_149 = vector.broadcast %mul3A_148 : i32 to vector<16xi32>
      %mul3A_150 = arith.muli %get3A_147, %mul3A_149 : vector<16xi32>
      %add3A_151 = arith.addi %mul3A_150, %broadcast_in_dim3A_1 : vector<16xi32>
      %swap3A = arith.index_cast %scan3A_145 : i32 to index
      %swap3A_152 = arith.constant 0 : index
      %swap3A_153 = tpu.vector_load %arg8[%swap3A, %swap3A_152] {strides = array<i32>} : memref<157x128xi32, #tpu.memory_space<vmem>>, vector<16xi32>,
      tpu.vector_store %arg8[%swap3A, %swap3A_152], %add3A_151 {strides = array<i32>} : memref<157x128xi32, #tpu.memory_space<vmem>>, vector<16xi32>,
      %get3A_154 = arith.index_cast %scan3A_145 : i32 to index
      %get3A_155 = arith.constant 16 : index
      %get3A_156 = tpu.vector_load %arg8[%get3A_154, %get3A_155] {strides = array<i32>} : memref<157x128xi32, #tpu.memory_space<vmem>>, vector<16xi32>,
      %mul3A_157 = arith.constant 2 : i32
      %mul3A_158 = vector.broadcast %mul3A_157 : i32 to vector<16xi32>
      %mul3A_159 = arith.muli %get3A_156, %mul3A_158 : vector<16xi32>
      %add3A_160 = arith.addi %mul3A_159, %broadcast_in_dim3A_1 : vector<16xi32>
      %swap3A_161 = arith.index_cast %scan3A_145 : i32 to index
      %swap3A_162 = arith.constant 16 : index
      %swap3A_163 = tpu.vector_load %arg8[%swap3A_161, %swap3A_162] {strides = array<i32>} : memref<157x128xi32, #tpu.memory_space<vmem>>, vector<16xi32>,
      tpu.vector_store %arg8[%swap3A_161, %swap3A_162], %add3A_160 {strides = array<i32>} : memref<157x128xi32, #tpu.memory_space<vmem>>, vector<16xi32>,
      %get3A_164 = arith.index_cast %scan3A_145 : i32 to index
      %get3A_165 = arith.constant 32 : index
      %get3A_166 = tpu.vector_load %arg8[%get3A_164, %get3A_165] {strides = array<i32>} : memref<157x128xi32, #tpu.memory_space<vmem>>, vector<16xi32>,
      %mul3A_167 = arith.constant 2 : i32
      %mul3A_168 = vector.broadcast %mul3A_167 : i32 to vector<16xi32>
      %mul3A_169 = arith.muli %get3A_166, %mul3A_168 : vector<16xi32>
      %add3A_170 = arith.addi %mul3A_169, %broadcast_in_dim3A_1 : vector<16xi32>
      %swap3A_171 = arith.index_cast %scan3A_145 : i32 to index
      %swap3A_172 = arith.constant 32 : index
      %swap3A_173 = tpu.vector_load %arg8[%swap3A_171, %swap3A_172] {strides = array<i32>} : memref<157x128xi32, #tpu.memory_space<vmem>>, vector<16xi32>,
      tpu.vector_store %arg8[%swap3A_171, %swap3A_172], %add3A_170 {strides = array<i32>} : memref<157x128xi32, #tpu.memory_space<vmem>>, vector<16xi32>,
      %get3A_174 = arith.index_cast %scan3A_145 : i32 to index
      %get3A_175 = arith.constant 48 : index
      %get3A_176 = tpu.vector_load %arg8[%get3A_174, %get3A_175] {strides = array<i32>} : memref<157x128xi32, #tpu.memory_space<vmem>>, vector<16xi32>,
      %mul3A_177 = arith.constant 2 : i32
      %mul3A_178 = vector.broadcast %mul3A_177 : i32 to vector<16xi32>
      %mul3A_179 = arith.muli %get3A_176, %mul3A_178 : vector<16xi32>
      %add3A_180 = arith.addi %mul3A_179, %broadcast_in_dim3A_1 : vector<16xi32>
      %swap3A_181 = arith.index_cast %scan3A_145 : i32 to index
      %swap3A_182 = arith.constant 48 : index
      %swap3A_183 = tpu.vector_load %arg8[%swap3A_181, %swap3A_182] {strides = array<i32>} : memref<157x128xi32, #tpu.memory_space<vmem>>, vector<16xi32>,
      tpu.vector_store %arg8[%swap3A_181, %swap3A_182], %add3A_180 {strides = array<i32>} : memref<157x128xi32, #tpu.memory_space<vmem>>, vector<16xi32>,
      %get3A_184 = arith.index_cast %scan3A_145 : i32 to index
      %get3A_185 = arith.constant 64 : index
      %get3A_186 = tpu.vector_load %arg8[%get3A_184, %get3A_185] {strides = array<i32>} : memref<157x128xi32, #tpu.memory_space<vmem>>, vector<16xi32>,
      %mul3A_187 = arith.constant 2 : i32
      %mul3A_188 = vector.broadcast %mul3A_187 : i32 to vector<16xi32>
      %mul3A_189 = arith.muli %get3A_186, %mul3A_188 : vector<16xi32>
      %add3A_190 = arith.addi %mul3A_189, %broadcast_in_dim3A_1 : vector<16xi32>
      %swap3A_191 = arith.index_cast %scan3A_145 : i32 to index
      %swap3A_192 = arith.constant 64 : index
      %swap3A_193 = tpu.vector_load %arg8[%swap3A_191, %swap3A_192] {strides = array<i32>} : memref<157x128xi32, #tpu.memory_space<vmem>>, vector<16xi32>,
      tpu.vector_store %arg8[%swap3A_191, %swap3A_192], %add3A_190 {strides = array<i32>} : memref<157x128xi32, #tpu.memory_space<vmem>>, vector<16xi32>,
      %get3A_194 = arith.index_cast %scan3A_145 : i32 to index
      %get3A_195 = arith.constant 80 : index
      %get3A_196 = tpu.vector_load %arg8[%get3A_194, %get3A_195] {strides = array<i32>} : memref<157x128xi32, #tpu.memory_space<vmem>>, vector<16xi32>,
      %mul3A_197 = arith.constant 2 : i32
      %mul3A_198 = vector.broadcast %mul3A_197 : i32 to vector<16xi32>
      %mul3A_199 = arith.muli %get3A_196, %mul3A_198 : vector<16xi32>
      %add3A_200 = arith.addi %mul3A_199, %broadcast_in_dim3A_1 : vector<16xi32>
      %swap3A_201 = arith.index_cast %scan3A_145 : i32 to index
      %swap3A_202 = arith.constant 80 : index
      %swap3A_203 = tpu.vector_load %arg8[%swap3A_201, %swap3A_202] {strides = array<i32>} : memref<157x128xi32, #tpu.memory_space<vmem>>, vector<16xi32>,
      tpu.vector_store %arg8[%swap3A_201, %swap3A_202], %add3A_200 {strides = array<i32>} : memref<157x128xi32, #tpu.memory_space<vmem>>, vector<16xi32>,
      %get3A_204 = arith.index_cast %scan3A_145 : i32 to index
      %get3A_205 = arith.constant 96 : index
      %get3A_206 = tpu.vector_load %arg8[%get3A_204, %get3A_205] {strides = array<i32>} : memref<157x128xi32, #tpu.memory_space<vmem>>, vector<16xi32>,
      %mul3A_207 = arith.constant 2 : i32
      %mul3A_208 = vector.broadcast %mul3A_207 : i32 to vector<16xi32>
      %mul3A_209 = arith.muli %get3A_206, %mul3A_208 : vector<16xi32>
      %add3A_210 = arith.addi %mul3A_209, %broadcast_in_dim3A_1 : vector<16xi32>
      %swap3A_211 = arith.index_cast %scan3A_145 : i32 to index
      %swap3A_212 = arith.constant 96 : index
      %swap3A_213 = tpu.vector_load %arg8[%swap3A_211, %swap3A_212] {strides = array<i32>} : memref<157x128xi32, #tpu.memory_space<vmem>>, vector<16xi32>,
      tpu.vector_store %arg8[%swap3A_211, %swap3A_212], %add3A_210 {strides = array<i32>} : memref<157x128xi32, #tpu.memory_space<vmem>>, vector<16xi32>,
      %get3A_214 = arith.index_cast %scan3A_145 : i32 to index
      %get3A_215 = arith.constant 112 : index
      %get3A_216 = tpu.vector_load %arg8[%get3A_214, %get3A_215] {strides = array<i32>} : memref<157x128xi32, #tpu.memory_space<vmem>>, vector<16xi32>,
      %mul3A_217 = arith.constant 2 : i32
      %mul3A_218 = vector.broadcast %mul3A_217 : i32 to vector<16xi32>
      %mul3A_219 = arith.muli %get3A_216, %mul3A_218 : vector<16xi32>
      %add3A_220 = arith.addi %mul3A_219, %broadcast_in_dim3A_1 : vector<16xi32>
      %swap3A_221 = arith.index_cast %scan3A_145 : i32 to index
      %swap3A_222 = arith.constant 112 : index
      %swap3A_223 = tpu.vector_load %arg8[%swap3A_221, %swap3A_222] {strides = array<i32>} : memref<157x128xi32, #tpu.memory_space<vmem>>, vector<16xi32>,
      tpu.vector_store %arg8[%swap3A_221, %swap3A_222], %add3A_220 {strides = array<i32>} : memref<157x128xi32, #tpu.memory_space<vmem>>, vector<16xi32>,
    }
    %scan3A_59 = arith.constant 153 : i32
    %scan3A_60 = arith.constant 0 : i32
    %scan3A_61 = arith.constant 0 : i32
    %scan3A_62 = arith.constant 80 : i32
    %scan3A_63 = arith.addi %scan3A_61, %scan3A_62 : i32
    %scan3A_64 = arith.constant 1 : i32
    scf.for %scan3A_145 = %scan3A_61 to %scan3A_63 step %scan3A_64  : i32 {
      %swap3A = arith.index_cast %scan3A_145 : i32 to index
      %swap3A_146 = arith.constant 0 : index
      %swap3A_147 = tpu.vector_load %arg11[%swap3A, %swap3A_146] {strides = array<i32>} : memref<80x64xf32, #tpu.memory_space<vmem>>, vector<16xf32>,
      tpu.vector_store %arg11[%swap3A, %swap3A_146], %broadcast_in_dim3A_0 {strides = array<i32>} : memref<80x64xf32, #tpu.memory_space<vmem>>, vector<16xf32>,
      %swap3A_148 = arith.index_cast %scan3A_145 : i32 to index
      %swap3A_149 = arith.constant 16 : index
      %swap3A_150 = tpu.vector_load %arg11[%swap3A_148, %swap3A_149] {strides = array<i32>} : memref<80x64xf32, #tpu.memory_space<vmem>>, vector<16xf32>,
      tpu.vector_store %arg11[%swap3A_148, %swap3A_149], %broadcast_in_dim3A_0 {strides = array<i32>} : memref<80x64xf32, #tpu.memory_space<vmem>>, vector<16xf32>,
      %swap3A_151 = arith.index_cast %scan3A_145 : i32 to index
      %swap3A_152 = arith.constant 32 : index
      %swap3A_153 = tpu.vector_load %arg11[%swap3A_151, %swap3A_152] {strides = array<i32>} : memref<80x64xf32, #tpu.memory_space<vmem>>, vector<16xf32>,
      tpu.vector_store %arg11[%swap3A_151, %swap3A_152], %broadcast_in_dim3A_0 {strides = array<i32>} : memref<80x64xf32, #tpu.memory_space<vmem>>, vector<16xf32>,
      %swap3A_154 = arith.index_cast %scan3A_145 : i32 to index
      %swap3A_155 = arith.constant 48 : index
      %swap3A_156 = tpu.vector_load %arg11[%swap3A_154, %swap3A_155] {strides = array<i32>} : memref<80x64xf32, #tpu.memory_space<vmem>>, vector<16xf32>,
      tpu.vector_store %arg11[%swap3A_154, %swap3A_155], %broadcast_in_dim3A_0 {strides = array<i32>} : memref<80x64xf32, #tpu.memory_space<vmem>>, vector<16xf32>,
    }
    %scan3A_65 = arith.constant 80 : i32
    %scan3A_66 = arith.constant 0 : i32
    %scan3A_67 = arith.constant 0 : i32
    %scan3A_68 = arith.constant 8 : i32
    %scan3A_69 = arith.addi %scan3A_67, %scan3A_68 : i32
    %scan3A_70 = arith.constant 1 : i32
    scf.for %scan3A_145 = %scan3A_67 to %scan3A_69 step %scan3A_70  : i32 {
      %mul3A_146 = arith.constant 640 : i32
      %mul3A_147 = arith.muli %arg1, %mul3A_146 : i32
      %mul3A_148 = arith.constant 80 : i32
      %mul3A_149 = arith.muli %scan3A_145, %mul3A_148 : i32
      %add3A_150 = arith.addi %mul3A_147, %mul3A_149 : i32
      "tpu.region"() ({
        %run_scoped3A = tpu.sem_alloc : memref<!tpu.dma_semaphore, #tpu.memory_space<semaphore_mem>>
        %dma_start3A_151 = arith.constant 0 : i32
        %dma_start3A_152 = tpu.memref_slice %arg13[%add3A_150, %dma_start3A_151] : memref<10240x64xf32, #tpu.memory_space<vmem_shared>> -> memref<80x64xf32, #tpu.memory_space<vmem_shared>>
        %dma_start3A_153 = arith.constant 0 : i32
        %dma_start3A_154 = tpu.memref_slice %arg13[%add3A_150, %dma_start3A_153] : memref<10240x64xf32, #tpu.memory_space<vmem_shared>> -> memref<80x64xf32, #tpu.memory_space<vmem_shared>>
        tpu.enqueue_dma source(%arg11 : memref<80x64xf32, #tpu.memory_space<vmem>>) target(%dma_start3A_154 : memref<80x64xf32, #tpu.memory_space<vmem_shared>>) target_semaphore(%run_scoped3A : memref<!tpu.dma_semaphore, #tpu.memory_space<semaphore_mem>>)
        %dma_wait3A_155 = arith.constant 0 : i32
        %dma_wait3A_156 = tpu.memref_slice %arg13[%add3A_150, %dma_wait3A_155] : memref<10240x64xf32, #tpu.memory_space<vmem_shared>> -> memref<80x64xf32, #tpu.memory_space<vmem_shared>>
        %dma_wait3A_157 = arith.constant 0 : i32
        %dma_wait3A_158 = tpu.memref_slice %arg13[%add3A_150, %dma_wait3A_157] : memref<10240x64xf32, #tpu.memory_space<vmem_shared>> -> memref<80x64xf32, #tpu.memory_space<vmem_shared>>
        tpu.wait_dma2 semaphore(%run_scoped3A : memref<!tpu.dma_semaphore, #tpu.memory_space<semaphore_mem>>) src(%arg11 : memref<80x64xf32, #tpu.memory_space<vmem>>) dst(%dma_wait3A_158 : memref<80x64xf32, #tpu.memory_space<vmem_shared>>)
        tpu.yield
      }) : () -> ()
    }
    %scan3A_71 = arith.constant 8 : i32
    %mul3A = arith.constant 640 : i32
    %mul3A_72 = arith.muli %arg1, %mul3A : i32
    %add3A = arith.constant 0 : i32
    %add3A_73 = arith.addi %mul3A_72, %add3A : i32
    "tpu.region"() ({
      %run_scoped3A = tpu.sem_alloc : memref<!tpu.dma_semaphore, #tpu.memory_space<semaphore_mem>>
      %dma_start3A_145 = arith.constant 0 : i32
      %dma_start3A_146 = arith.constant 0 : i32
      %dma_start3A_147 = tpu.memref_slice %arg11[%dma_start3A_145, %dma_start3A_146] : memref<80x64xf32, #tpu.memory_space<vmem>> -> memref<80x8xf32, #tpu.memory_space<vmem>>
      %dma_start3A_148 = arith.constant 0 : i32
      %dma_start3A_149 = tpu.memref_slice %arg14[%add3A_73, %dma_start3A_148] : memref<10240x8xf32, #tpu.memory_space<vmem_shared>> -> memref<80x8xf32, #tpu.memory_space<vmem_shared>>
      %dma_start3A_150 = arith.constant 0 : i32
      %dma_start3A_151 = tpu.memref_slice %arg14[%add3A_73, %dma_start3A_150] : memref<10240x8xf32, #tpu.memory_space<vmem_shared>> -> memref<80x8xf32, #tpu.memory_space<vmem_shared>>
      %dma_start3A_152 = arith.constant 0 : i32
      %dma_start3A_153 = arith.constant 0 : i32
      %dma_start3A_154 = tpu.memref_slice %arg11[%dma_start3A_152, %dma_start3A_153] : memref<80x64xf32, #tpu.memory_space<vmem>> -> memref<80x8xf32, #tpu.memory_space<vmem>>
      tpu.enqueue_dma source(%dma_start3A_154 : memref<80x8xf32, #tpu.memory_space<vmem>>) target(%dma_start3A_151 : memref<80x8xf32, #tpu.memory_space<vmem_shared>>) target_semaphore(%run_scoped3A : memref<!tpu.dma_semaphore, #tpu.memory_space<semaphore_mem>>)
      %dma_wait3A_155 = arith.constant 0 : i32
      %dma_wait3A_156 = arith.constant 0 : i32
      %dma_wait3A_157 = tpu.memref_slice %arg11[%dma_wait3A_155, %dma_wait3A_156] : memref<80x64xf32, #tpu.memory_space<vmem>> -> memref<80x8xf32, #tpu.memory_space<vmem>>
      %dma_wait3A_158 = arith.constant 0 : i32
      %dma_wait3A_159 = tpu.memref_slice %arg14[%add3A_73, %dma_wait3A_158] : memref<10240x8xf32, #tpu.memory_space<vmem_shared>> -> memref<80x8xf32, #tpu.memory_space<vmem_shared>>
      %dma_wait3A_160 = arith.constant 0 : i32
      %dma_wait3A_161 = tpu.memref_slice %arg14[%add3A_73, %dma_wait3A_160] : memref<10240x8xf32, #tpu.memory_space<vmem_shared>> -> memref<80x8xf32, #tpu.memory_space<vmem_shared>>
      %dma_wait3A_162 = arith.constant 0 : i32
      %dma_wait3A_163 = arith.constant 0 : i32
      %dma_wait3A_164 = tpu.memref_slice %arg11[%dma_wait3A_162, %dma_wait3A_163] : memref<80x64xf32, #tpu.memory_space<vmem>> -> memref<80x8xf32, #tpu.memory_space<vmem>>
      tpu.wait_dma2 semaphore(%run_scoped3A : memref<!tpu.dma_semaphore, #tpu.memory_space<semaphore_mem>>) src(%dma_wait3A_164 : memref<80x8xf32, #tpu.memory_space<vmem>>) dst(%dma_wait3A_161 : memref<80x8xf32, #tpu.memory_space<vmem_shared>>)
      tpu.yield
    }) : () -> ()
    %mul3A_74 = arith.constant 640 : i32
    %mul3A_75 = arith.muli %arg1, %mul3A_74 : i32
    %add3A_76 = arith.constant 80 : i32
    %add3A_77 = arith.addi %mul3A_75, %add3A_76 : i32
    "tpu.region"() ({
      %run_scoped3A = tpu.sem_alloc : memref<!tpu.dma_semaphore, #tpu.memory_space<semaphore_mem>>
      %dma_start3A_145 = arith.constant 0 : i32
      %dma_start3A_146 = arith.constant 0 : i32
      %dma_start3A_147 = tpu.memref_slice %arg11[%dma_start3A_145, %dma_start3A_146] : memref<80x64xf32, #tpu.memory_space<vmem>> -> memref<80x8xf32, #tpu.memory_space<vmem>>
      %dma_start3A_148 = arith.constant 0 : i32
      %dma_start3A_149 = tpu.memref_slice %arg14[%add3A_77, %dma_start3A_148] : memref<10240x8xf32, #tpu.memory_space<vmem_shared>> -> memref<80x8xf32, #tpu.memory_space<vmem_shared>>
      %dma_start3A_150 = arith.constant 0 : i32
      %dma_start3A_151 = tpu.memref_slice %arg14[%add3A_77, %dma_start3A_150] : memref<10240x8xf32, #tpu.memory_space<vmem_shared>> -> memref<80x8xf32, #tpu.memory_space<vmem_shared>>
      %dma_start3A_152 = arith.constant 0 : i32
      %dma_start3A_153 = arith.constant 0 : i32
      %dma_start3A_154 = tpu.memref_slice %arg11[%dma_start3A_152, %dma_start3A_153] : memref<80x64xf32, #tpu.memory_space<vmem>> -> memref<80x8xf32, #tpu.memory_space<vmem>>
      tpu.enqueue_dma source(%dma_start3A_154 : memref<80x8xf32, #tpu.memory_space<vmem>>) target(%dma_start3A_151 : memref<80x8xf32, #tpu.memory_space<vmem_shared>>) target_semaphore(%run_scoped3A : memref<!tpu.dma_semaphore, #tpu.memory_space<semaphore_mem>>)
      %dma_wait3A_155 = arith.constant 0 : i32
      %dma_wait3A_156 = arith.constant 0 : i32
      %dma_wait3A_157 = tpu.memref_slice %arg11[%dma_wait3A_155, %dma_wait3A_156] : memref<80x64xf32, #tpu.memory_space<vmem>> -> memref<80x8xf32, #tpu.memory_space<vmem>>
      %dma_wait3A_158 = arith.constant 0 : i32
      %dma_wait3A_159 = tpu.memref_slice %arg14[%add3A_77, %dma_wait3A_158] : memref<10240x8xf32, #tpu.memory_space<vmem_shared>> -> memref<80x8xf32, #tpu.memory_space<vmem_shared>>
      %dma_wait3A_160 = arith.constant 0 : i32
      %dma_wait3A_161 = tpu.memref_slice %arg14[%add3A_77, %dma_wait3A_160] : memref<10240x8xf32, #tpu.memory_space<vmem_shared>> -> memref<80x8xf32, #tpu.memory_space<vmem_shared>>
      %dma_wait3A_162 = arith.constant 0 : i32
      %dma_wait3A_163 = arith.constant 0 : i32
      %dma_wait3A_164 = tpu.memref_slice %arg11[%dma_wait3A_162, %dma_wait3A_163] : memref<80x64xf32, #tpu.memory_space<vmem>> -> memref<80x8xf32, #tpu.memory_space<vmem>>
      tpu.wait_dma2 semaphore(%run_scoped3A : memref<!tpu.dma_semaphore, #tpu.memory_space<semaphore_mem>>) src(%dma_wait3A_164 : memref<80x8xf32, #tpu.memory_space<vmem>>) dst(%dma_wait3A_161 : memref<80x8xf32, #tpu.memory_space<vmem_shared>>)
      tpu.yield
    }) : () -> ()
    %mul3A_78 = arith.constant 640 : i32
    %mul3A_79 = arith.muli %arg1, %mul3A_78 : i32
    %add3A_80 = arith.constant 160 : i32
    %add3A_81 = arith.addi %mul3A_79, %add3A_80 : i32
    "tpu.region"() ({
      %run_scoped3A = tpu.sem_alloc : memref<!tpu.dma_semaphore, #tpu.memory_space<semaphore_mem>>
      %dma_start3A_145 = arith.constant 0 : i32
      %dma_start3A_146 = arith.constant 0 : i32
      %dma_start3A_147 = tpu.memref_slice %arg11[%dma_start3A_145, %dma_start3A_146] : memref<80x64xf32, #tpu.memory_space<vmem>> -> memref<80x8xf32, #tpu.memory_space<vmem>>
      %dma_start3A_148 = arith.constant 0 : i32
      %dma_start3A_149 = tpu.memref_slice %arg14[%add3A_81, %dma_start3A_148] : memref<10240x8xf32, #tpu.memory_space<vmem_shared>> -> memref<80x8xf32, #tpu.memory_space<vmem_shared>>
      %dma_start3A_150 = arith.constant 0 : i32
      %dma_start3A_151 = tpu.memref_slice %arg14[%add3A_81, %dma_start3A_150] : memref<10240x8xf32, #tpu.memory_space<vmem_shared>> -> memref<80x8xf32, #tpu.memory_space<vmem_shared>>
      %dma_start3A_152 = arith.constant 0 : i32
      %dma_start3A_153 = arith.constant 0 : i32
      %dma_start3A_154 = tpu.memref_slice %arg11[%dma_start3A_152, %dma_start3A_153] : memref<80x64xf32, #tpu.memory_space<vmem>> -> memref<80x8xf32, #tpu.memory_space<vmem>>
      tpu.enqueue_dma source(%dma_start3A_154 : memref<80x8xf32, #tpu.memory_space<vmem>>) target(%dma_start3A_151 : memref<80x8xf32, #tpu.memory_space<vmem_shared>>) target_semaphore(%run_scoped3A : memref<!tpu.dma_semaphore, #tpu.memory_space<semaphore_mem>>)
      %dma_wait3A_155 = arith.constant 0 : i32
      %dma_wait3A_156 = arith.constant 0 : i32
      %dma_wait3A_157 = tpu.memref_slice %arg11[%dma_wait3A_155, %dma_wait3A_156] : memref<80x64xf32, #tpu.memory_space<vmem>> -> memref<80x8xf32, #tpu.memory_space<vmem>>
      %dma_wait3A_158 = arith.constant 0 : i32
      %dma_wait3A_159 = tpu.memref_slice %arg14[%add3A_81, %dma_wait3A_158] : memref<10240x8xf32, #tpu.memory_space<vmem_shared>> -> memref<80x8xf32, #tpu.memory_space<vmem_shared>>
      %dma_wait3A_160 = arith.constant 0 : i32
      %dma_wait3A_161 = tpu.memref_slice %arg14[%add3A_81, %dma_wait3A_160] : memref<10240x8xf32, #tpu.memory_space<vmem_shared>> -> memref<80x8xf32, #tpu.memory_space<vmem_shared>>
      %dma_wait3A_162 = arith.constant 0 : i32
      %dma_wait3A_163 = arith.constant 0 : i32
      %dma_wait3A_164 = tpu.memref_slice %arg11[%dma_wait3A_162, %dma_wait3A_163] : memref<80x64xf32, #tpu.memory_space<vmem>> -> memref<80x8xf32, #tpu.memory_space<vmem>>
      tpu.wait_dma2 semaphore(%run_scoped3A : memref<!tpu.dma_semaphore, #tpu.memory_space<semaphore_mem>>) src(%dma_wait3A_164 : memref<80x8xf32, #tpu.memory_space<vmem>>) dst(%dma_wait3A_161 : memref<80x8xf32, #tpu.memory_space<vmem_shared>>)
      tpu.yield
    }) : () -> ()
    %mul3A_82 = arith.constant 640 : i32
    %mul3A_83 = arith.muli %arg1, %mul3A_82 : i32
    %add3A_84 = arith.constant 240 : i32
    %add3A_85 = arith.addi %mul3A_83, %add3A_84 : i32
    "tpu.region"() ({
      %run_scoped3A = tpu.sem_alloc : memref<!tpu.dma_semaphore, #tpu.memory_space<semaphore_mem>>
      %dma_start3A_145 = arith.constant 0 : i32
      %dma_start3A_146 = arith.constant 0 : i32
      %dma_start3A_147 = tpu.memref_slice %arg11[%dma_start3A_145, %dma_start3A_146] : memref<80x64xf32, #tpu.memory_space<vmem>> -> memref<80x8xf32, #tpu.memory_space<vmem>>
      %dma_start3A_148 = arith.constant 0 : i32
      %dma_start3A_149 = tpu.memref_slice %arg14[%add3A_85, %dma_start3A_148] : memref<10240x8xf32, #tpu.memory_space<vmem_shared>> -> memref<80x8xf32, #tpu.memory_space<vmem_shared>>
      %dma_start3A_150 = arith.constant 0 : i32
      %dma_start3A_151 = tpu.memref_slice %arg14[%add3A_85, %dma_start3A_150] : memref<10240x8xf32, #tpu.memory_space<vmem_shared>> -> memref<80x8xf32, #tpu.memory_space<vmem_shared>>
      %dma_start3A_152 = arith.constant 0 : i32
      %dma_start3A_153 = arith.constant 0 : i32
      %dma_start3A_154 = tpu.memref_slice %arg11[%dma_start3A_152, %dma_start3A_153] : memref<80x64xf32, #tpu.memory_space<vmem>> -> memref<80x8xf32, #tpu.memory_space<vmem>>
      tpu.enqueue_dma source(%dma_start3A_154 : memref<80x8xf32, #tpu.memory_space<vmem>>) target(%dma_start3A_151 : memref<80x8xf32, #tpu.memory_space<vmem_shared>>) target_semaphore(%run_scoped3A : memref<!tpu.dma_semaphore, #tpu.memory_space<semaphore_mem>>)
      %dma_wait3A_155 = arith.constant 0 : i32
      %dma_wait3A_156 = arith.constant 0 : i32
      %dma_wait3A_157 = tpu.memref_slice %arg11[%dma_wait3A_155, %dma_wait3A_156] : memref<80x64xf32, #tpu.memory_space<vmem>> -> memref<80x8xf32, #tpu.memory_space<vmem>>
      %dma_wait3A_158 = arith.constant 0 : i32
      %dma_wait3A_159 = tpu.memref_slice %arg14[%add3A_85, %dma_wait3A_158] : memref<10240x8xf32, #tpu.memory_space<vmem_shared>> -> memref<80x8xf32, #tpu.memory_space<vmem_shared>>
      %dma_wait3A_160 = arith.constant 0 : i32
      %dma_wait3A_161 = tpu.memref_slice %arg14[%add3A_85, %dma_wait3A_160] : memref<10240x8xf32, #tpu.memory_space<vmem_shared>> -> memref<80x8xf32, #tpu.memory_space<vmem_shared>>
      %dma_wait3A_162 = arith.constant 0 : i32
      %dma_wait3A_163 = arith.constant 0 : i32
      %dma_wait3A_164 = tpu.memref_slice %arg11[%dma_wait3A_162, %dma_wait3A_163] : memref<80x64xf32, #tpu.memory_space<vmem>> -> memref<80x8xf32, #tpu.memory_space<vmem>>
      tpu.wait_dma2 semaphore(%run_scoped3A : memref<!tpu.dma_semaphore, #tpu.memory_space<semaphore_mem>>) src(%dma_wait3A_164 : memref<80x8xf32, #tpu.memory_space<vmem>>) dst(%dma_wait3A_161 : memref<80x8xf32, #tpu.memory_space<vmem_shared>>)
      tpu.yield
    }) : () -> ()
    %mul3A_86 = arith.constant 640 : i32
    %mul3A_87 = arith.muli %arg1, %mul3A_86 : i32
    %add3A_88 = arith.constant 320 : i32
    %add3A_89 = arith.addi %mul3A_87, %add3A_88 : i32
    "tpu.region"() ({
      %run_scoped3A = tpu.sem_alloc : memref<!tpu.dma_semaphore, #tpu.memory_space<semaphore_mem>>
      %dma_start3A_145 = arith.constant 0 : i32
      %dma_start3A_146 = arith.constant 0 : i32
      %dma_start3A_147 = tpu.memref_slice %arg11[%dma_start3A_145, %dma_start3A_146] : memref<80x64xf32, #tpu.memory_space<vmem>> -> memref<80x8xf32, #tpu.memory_space<vmem>>
      %dma_start3A_148 = arith.constant 0 : i32
      %dma_start3A_149 = tpu.memref_slice %arg14[%add3A_89, %dma_start3A_148] : memref<10240x8xf32, #tpu.memory_space<vmem_shared>> -> memref<80x8xf32, #tpu.memory_space<vmem_shared>>
      %dma_start3A_150 = arith.constant 0 : i32
      %dma_start3A_151 = tpu.memref_slice %arg14[%add3A_89, %dma_start3A_150] : memref<10240x8xf32, #tpu.memory_space<vmem_shared>> -> memref<80x8xf32, #tpu.memory_space<vmem_shared>>
      %dma_start3A_152 = arith.constant 0 : i32
      %dma_start3A_153 = arith.constant 0 : i32
      %dma_start3A_154 = tpu.memref_slice %arg11[%dma_start3A_152, %dma_start3A_153] : memref<80x64xf32, #tpu.memory_space<vmem>> -> memref<80x8xf32, #tpu.memory_space<vmem>>
      tpu.enqueue_dma source(%dma_start3A_154 : memref<80x8xf32, #tpu.memory_space<vmem>>) target(%dma_start3A_151 : memref<80x8xf32, #tpu.memory_space<vmem_shared>>) target_semaphore(%run_scoped3A : memref<!tpu.dma_semaphore, #tpu.memory_space<semaphore_mem>>)
      %dma_wait3A_155 = arith.constant 0 : i32
      %dma_wait3A_156 = arith.constant 0 : i32
      %dma_wait3A_157 = tpu.memref_slice %arg11[%dma_wait3A_155, %dma_wait3A_156] : memref<80x64xf32, #tpu.memory_space<vmem>> -> memref<80x8xf32, #tpu.memory_space<vmem>>
      %dma_wait3A_158 = arith.constant 0 : i32
      %dma_wait3A_159 = tpu.memref_slice %arg14[%add3A_89, %dma_wait3A_158] : memref<10240x8xf32, #tpu.memory_space<vmem_shared>> -> memref<80x8xf32, #tpu.memory_space<vmem_shared>>
      %dma_wait3A_160 = arith.constant 0 : i32
      %dma_wait3A_161 = tpu.memref_slice %arg14[%add3A_89, %dma_wait3A_160] : memref<10240x8xf32, #tpu.memory_space<vmem_shared>> -> memref<80x8xf32, #tpu.memory_space<vmem_shared>>
      %dma_wait3A_162 = arith.constant 0 : i32
      %dma_wait3A_163 = arith.constant 0 : i32
      %dma_wait3A_164 = tpu.memref_slice %arg11[%dma_wait3A_162, %dma_wait3A_163] : memref<80x64xf32, #tpu.memory_space<vmem>> -> memref<80x8xf32, #tpu.memory_space<vmem>>
      tpu.wait_dma2 semaphore(%run_scoped3A : memref<!tpu.dma_semaphore, #tpu.memory_space<semaphore_mem>>) src(%dma_wait3A_164 : memref<80x8xf32, #tpu.memory_space<vmem>>) dst(%dma_wait3A_161 : memref<80x8xf32, #tpu.memory_space<vmem_shared>>)
      tpu.yield
    }) : () -> ()
    %mul3A_90 = arith.constant 640 : i32
    %mul3A_91 = arith.muli %arg1, %mul3A_90 : i32
    %add3A_92 = arith.constant 400 : i32
    %add3A_93 = arith.addi %mul3A_91, %add3A_92 : i32
    "tpu.region"() ({
      %run_scoped3A = tpu.sem_alloc : memref<!tpu.dma_semaphore, #tpu.memory_space<semaphore_mem>>
      %dma_start3A_145 = arith.constant 0 : i32
      %dma_start3A_146 = arith.constant 0 : i32
      %dma_start3A_147 = tpu.memref_slice %arg11[%dma_start3A_145, %dma_start3A_146] : memref<80x64xf32, #tpu.memory_space<vmem>> -> memref<80x8xf32, #tpu.memory_space<vmem>>
      %dma_start3A_148 = arith.constant 0 : i32
      %dma_start3A_149 = tpu.memref_slice %arg14[%add3A_93, %dma_start3A_148] : memref<10240x8xf32, #tpu.memory_space<vmem_shared>> -> memref<80x8xf32, #tpu.memory_space<vmem_shared>>
      %dma_start3A_150 = arith.constant 0 : i32
      %dma_start3A_151 = tpu.memref_slice %arg14[%add3A_93, %dma_start3A_150] : memref<10240x8xf32, #tpu.memory_space<vmem_shared>> -> memref<80x8xf32, #tpu.memory_space<vmem_shared>>
      %dma_start3A_152 = arith.constant 0 : i32
      %dma_start3A_153 = arith.constant 0 : i32
      %dma_start3A_154 = tpu.memref_slice %arg11[%dma_start3A_152, %dma_start3A_153] : memref<80x64xf32, #tpu.memory_space<vmem>> -> memref<80x8xf32, #tpu.memory_space<vmem>>
      tpu.enqueue_dma source(%dma_start3A_154 : memref<80x8xf32, #tpu.memory_space<vmem>>) target(%dma_start3A_151 : memref<80x8xf32, #tpu.memory_space<vmem_shared>>) target_semaphore(%run_scoped3A : memref<!tpu.dma_semaphore, #tpu.memory_space<semaphore_mem>>)
      %dma_wait3A_155 = arith.constant 0 : i32
      %dma_wait3A_156 = arith.constant 0 : i32
      %dma_wait3A_157 = tpu.memref_slice %arg11[%dma_wait3A_155, %dma_wait3A_156] : memref<80x64xf32, #tpu.memory_space<vmem>> -> memref<80x8xf32, #tpu.memory_space<vmem>>
      %dma_wait3A_158 = arith.constant 0 : i32
      %dma_wait3A_159 = tpu.memref_slice %arg14[%add3A_93, %dma_wait3A_158] : memref<10240x8xf32, #tpu.memory_space<vmem_shared>> -> memref<80x8xf32, #tpu.memory_space<vmem_shared>>
      %dma_wait3A_160 = arith.constant 0 : i32
      %dma_wait3A_161 = tpu.memref_slice %arg14[%add3A_93, %dma_wait3A_160] : memref<10240x8xf32, #tpu.memory_space<vmem_shared>> -> memref<80x8xf32, #tpu.memory_space<vmem_shared>>
      %dma_wait3A_162 = arith.constant 0 : i32
      %dma_wait3A_163 = arith.constant 0 : i32
      %dma_wait3A_164 = tpu.memref_slice %arg11[%dma_wait3A_162, %dma_wait3A_163] : memref<80x64xf32, #tpu.memory_space<vmem>> -> memref<80x8xf32, #tpu.memory_space<vmem>>
      tpu.wait_dma2 semaphore(%run_scoped3A : memref<!tpu.dma_semaphore, #tpu.memory_space<semaphore_mem>>) src(%dma_wait3A_164 : memref<80x8xf32, #tpu.memory_space<vmem>>) dst(%dma_wait3A_161 : memref<80x8xf32, #tpu.memory_space<vmem_shared>>)
      tpu.yield
    }) : () -> ()
    %mul3A_94 = arith.constant 640 : i32
    %mul3A_95 = arith.muli %arg1, %mul3A_94 : i32
    %add3A_96 = arith.constant 480 : i32
    %add3A_97 = arith.addi %mul3A_95, %add3A_96 : i32
    "tpu.region"() ({
      %run_scoped3A = tpu.sem_alloc : memref<!tpu.dma_semaphore, #tpu.memory_space<semaphore_mem>>
      %dma_start3A_145 = arith.constant 0 : i32
      %dma_start3A_146 = arith.constant 0 : i32
      %dma_start3A_147 = tpu.memref_slice %arg11[%dma_start3A_145, %dma_start3A_146] : memref<80x64xf32, #tpu.memory_space<vmem>> -> memref<80x8xf32, #tpu.memory_space<vmem>>
      %dma_start3A_148 = arith.constant 0 : i32
      %dma_start3A_149 = tpu.memref_slice %arg14[%add3A_97, %dma_start3A_148] : memref<10240x8xf32, #tpu.memory_space<vmem_shared>> -> memref<80x8xf32, #tpu.memory_space<vmem_shared>>
      %dma_start3A_150 = arith.constant 0 : i32
      %dma_start3A_151 = tpu.memref_slice %arg14[%add3A_97, %dma_start3A_150] : memref<10240x8xf32, #tpu.memory_space<vmem_shared>> -> memref<80x8xf32, #tpu.memory_space<vmem_shared>>
      %dma_start3A_152 = arith.constant 0 : i32
      %dma_start3A_153 = arith.constant 0 : i32
      %dma_start3A_154 = tpu.memref_slice %arg11[%dma_start3A_152, %dma_start3A_153] : memref<80x64xf32, #tpu.memory_space<vmem>> -> memref<80x8xf32, #tpu.memory_space<vmem>>
      tpu.enqueue_dma source(%dma_start3A_154 : memref<80x8xf32, #tpu.memory_space<vmem>>) target(%dma_start3A_151 : memref<80x8xf32, #tpu.memory_space<vmem_shared>>) target_semaphore(%run_scoped3A : memref<!tpu.dma_semaphore, #tpu.memory_space<semaphore_mem>>)
      %dma_wait3A_155 = arith.constant 0 : i32
      %dma_wait3A_156 = arith.constant 0 : i32
      %dma_wait3A_157 = tpu.memref_slice %arg11[%dma_wait3A_155, %dma_wait3A_156] : memref<80x64xf32, #tpu.memory_space<vmem>> -> memref<80x8xf32, #tpu.memory_space<vmem>>
      %dma_wait3A_158 = arith.constant 0 : i32
      %dma_wait3A_159 = tpu.memref_slice %arg14[%add3A_97, %dma_wait3A_158] : memref<10240x8xf32, #tpu.memory_space<vmem_shared>> -> memref<80x8xf32, #tpu.memory_space<vmem_shared>>
      %dma_wait3A_160 = arith.constant 0 : i32
      %dma_wait3A_161 = tpu.memref_slice %arg14[%add3A_97, %dma_wait3A_160] : memref<10240x8xf32, #tpu.memory_space<vmem_shared>> -> memref<80x8xf32, #tpu.memory_space<vmem_shared>>
      %dma_wait3A_162 = arith.constant 0 : i32
      %dma_wait3A_163 = arith.constant 0 : i32
      %dma_wait3A_164 = tpu.memref_slice %arg11[%dma_wait3A_162, %dma_wait3A_163] : memref<80x64xf32, #tpu.memory_space<vmem>> -> memref<80x8xf32, #tpu.memory_space<vmem>>
      tpu.wait_dma2 semaphore(%run_scoped3A : memref<!tpu.dma_semaphore, #tpu.memory_space<semaphore_mem>>) src(%dma_wait3A_164 : memref<80x8xf32, #tpu.memory_space<vmem>>) dst(%dma_wait3A_161 : memref<80x8xf32, #tpu.memory_space<vmem_shared>>)
      tpu.yield
    }) : () -> ()
    %mul3A_98 = arith.constant 640 : i32
    %mul3A_99 = arith.muli %arg1, %mul3A_98 : i32
    %add3A_100 = arith.constant 560 : i32
    %add3A_101 = arith.addi %mul3A_99, %add3A_100 : i32
    "tpu.region"() ({
      %run_scoped3A = tpu.sem_alloc : memref<!tpu.dma_semaphore, #tpu.memory_space<semaphore_mem>>
      %dma_start3A_145 = arith.constant 0 : i32
      %dma_start3A_146 = arith.constant 0 : i32
      %dma_start3A_147 = tpu.memref_slice %arg11[%dma_start3A_145, %dma_start3A_146] : memref<80x64xf32, #tpu.memory_space<vmem>> -> memref<80x8xf32, #tpu.memory_space<vmem>>
      %dma_start3A_148 = arith.constant 0 : i32
      %dma_start3A_149 = tpu.memref_slice %arg14[%add3A_101, %dma_start3A_148] : memref<10240x8xf32, #tpu.memory_space<vmem_shared>> -> memref<80x8xf32, #tpu.memory_space<vmem_shared>>
      %dma_start3A_150 = arith.constant 0 : i32
      %dma_start3A_151 = tpu.memref_slice %arg14[%add3A_101, %dma_start3A_150] : memref<10240x8xf32, #tpu.memory_space<vmem_shared>> -> memref<80x8xf32, #tpu.memory_space<vmem_shared>>
      %dma_start3A_152 = arith.constant 0 : i32
      %dma_start3A_153 = arith.constant 0 : i32
      %dma_start3A_154 = tpu.memref_slice %arg11[%dma_start3A_152, %dma_start3A_153] : memref<80x64xf32, #tpu.memory_space<vmem>> -> memref<80x8xf32, #tpu.memory_space<vmem>>
      tpu.enqueue_dma source(%dma_start3A_154 : memref<80x8xf32, #tpu.memory_space<vmem>>) target(%dma_start3A_151 : memref<80x8xf32, #tpu.memory_space<vmem_shared>>) target_semaphore(%run_scoped3A : memref<!tpu.dma_semaphore, #tpu.memory_space<semaphore_mem>>)
      %dma_wait3A_155 = arith.constant 0 : i32
      %dma_wait3A_156 = arith.constant 0 : i32
      %dma_wait3A_157 = tpu.memref_slice %arg11[%dma_wait3A_155, %dma_wait3A_156] : memref<80x64xf32, #tpu.memory_space<vmem>> -> memref<80x8xf32, #tpu.memory_space<vmem>>
      %dma_wait3A_158 = arith.constant 0 : i32
      %dma_wait3A_159 = tpu.memref_slice %arg14[%add3A_101, %dma_wait3A_158] : memref<10240x8xf32, #tpu.memory_space<vmem_shared>> -> memref<80x8xf32, #tpu.memory_space<vmem_shared>>
      %dma_wait3A_160 = arith.constant 0 : i32
      %dma_wait3A_161 = tpu.memref_slice %arg14[%add3A_101, %dma_wait3A_160] : memref<10240x8xf32, #tpu.memory_space<vmem_shared>> -> memref<80x8xf32, #tpu.memory_space<vmem_shared>>
      %dma_wait3A_162 = arith.constant 0 : i32
      %dma_wait3A_163 = arith.constant 0 : i32
      %dma_wait3A_164 = tpu.memref_slice %arg11[%dma_wait3A_162, %dma_wait3A_163] : memref<80x64xf32, #tpu.memory_space<vmem>> -> memref<80x8xf32, #tpu.memory_space<vmem>>
      tpu.wait_dma2 semaphore(%run_scoped3A : memref<!tpu.dma_semaphore, #tpu.memory_space<semaphore_mem>>) src(%dma_wait3A_164 : memref<80x8xf32, #tpu.memory_space<vmem>>) dst(%dma_wait3A_161 : memref<80x8xf32, #tpu.memory_space<vmem_shared>>)
      tpu.yield
    }) : () -> ()
    %barrier3A = arith.constant 0 : index
    tpu.barrier barrier_id(%barrier3A)
    %scan3A_102 = arith.constant 0 : i32
    %scan3A_103 = arith.constant 0 : i32
    %scan3A_104 = arith.constant 157 : i32
    %scan3A_105 = arith.addi %scan3A_103, %scan3A_104 : i32
    %scan3A_106 = arith.constant 1 : i32
    scf.for %scan3A_145 = %scan3A_103 to %scan3A_105 step %scan3A_106  : i32 {
      %rem3A = arith.constant 4 : i32
      %rem3A_146 = arith.remsi %scan3A_145, %rem3A : i32
      %dma_wait3A_147 = arith.constant 0 : i32
      %dma_wait3A_148 = arith.constant 0 : i32
      %dma_wait3A_149 = tpu.memref_slice %arg10[%rem3A_146, %dma_wait3A_147, %dma_wait3A_148] : memref<4x128x64xf32, #tpu.memory_space<vmem>> -> memref<1x128x64xf32, #tpu.memory_space<vmem>>
      %dma_wait3A_150 = tpu.memref_squeeze %dma_wait3A_149 : memref<1x128x64xf32, #tpu.memory_space<vmem>> -> memref<128x64xf32, #tpu.memory_space<vmem>>
      %dma_wait3A_151 = arith.constant 0 : i32
      %dma_wait3A_152 = tpu.memref_slice %arg8[%scan3A_145, %dma_wait3A_151] : memref<157x128xi32, #tpu.memory_space<vmem>> -> memref<1x128xi32, #tpu.memory_space<vmem>>
      %dma_wait3A_153 = tpu.memref_squeeze %dma_wait3A_152 : memref<1x128xi32, #tpu.memory_space<vmem>> -> memref<128xi32, #tpu.memory_space<vmem>>
      %dma_wait3A_154 = arith.constant 0 : i32
      %dma_wait3A_155 = arith.constant 0 : i32
      %dma_wait3A_156 = tpu.memref_slice %arg2[%dma_wait3A_154, %dma_wait3A_155] : memref<20000x64xf32, #tpu.memory_space<hbm>> -> memref<20000x64xf32, #tpu.memory_space<hbm>>
      tpu.wait_indirect_dma semaphore(%arg15 : memref<!tpu.dma_semaphore, #tpu.memory_space<semaphore_mem>>) src(%dma_wait3A_156 : memref<20000x64xf32, #tpu.memory_space<hbm>>) dst(%dma_wait3A_150 : memref<128x64xf32, #tpu.memory_space<vmem>>)
      %dma_start3A_157 = arith.constant 0 : i32
      %dma_start3A_158 = arith.constant 0 : i32
      %dma_start3A_159 = tpu.memref_slice %arg10[%rem3A_146, %dma_start3A_157, %dma_start3A_158] : memref<4x128x64xf32, #tpu.memory_space<vmem>> -> memref<1x128x64xf32, #tpu.memory_space<vmem>>
      %dma_start3A_160 = tpu.memref_squeeze %dma_start3A_159 : memref<1x128x64xf32, #tpu.memory_space<vmem>> -> memref<128x64xf32, #tpu.memory_space<vmem>>
      %dma_start3A_161 = arith.constant 0 : i32
      %dma_start3A_162 = tpu.memref_slice %arg9[%scan3A_145, %dma_start3A_161] : memref<157x128xi32, #tpu.memory_space<vmem>> -> memref<1x128xi32, #tpu.memory_space<vmem>>
      %dma_start3A_163 = tpu.memref_squeeze %dma_start3A_162 : memref<1x128xi32, #tpu.memory_space<vmem>> -> memref<128xi32, #tpu.memory_space<vmem>>
      %dma_start3A_164 = arith.constant 0 : i32
      %dma_start3A_165 = arith.constant 0 : i32
      %dma_start3A_166 = tpu.memref_slice %arg13[%dma_start3A_164, %dma_start3A_165] : memref<10240x64xf32, #tpu.memory_space<vmem_shared>> -> memref<10240x64xf32, #tpu.memory_space<vmem_shared>>
      tpu.enqueue_indirect_dma source(%dma_start3A_160 : memref<128x64xf32, #tpu.memory_space<vmem>>) target(%dma_start3A_166 : memref<10240x64xf32, #tpu.memory_space<vmem_shared>>) offsets(%dma_start3A_163 : memref<128xi32, #tpu.memory_space<vmem>>) semaphore(%arg16 : memref<!tpu.dma_semaphore, #tpu.memory_space<semaphore_mem>>) {add = true}
      %rem3A_167 = arith.constant 2 : i32
      %rem3A_168 = arith.remsi %scan3A_145, %rem3A_167 : i32
      %eq3A = arith.cmpi eq, %rem3A_168, %arg0 : i32
      %convert_element_type3A = arith.extui %eq3A : i1 to i32
      %cond3A = arith.constant 0 : i32
      %cond3A_169 = arith.cmpi ne, %convert_element_type3A, %cond3A : i32
      scf.if %cond3A_169 {
        %dma_start3A_188 = arith.constant 0 : i32
        %dma_start3A_189 = tpu.memref_slice %arg9[%scan3A_145, %dma_start3A_188] : memref<157x128xi32, #tpu.memory_space<vmem>> -> memref<1x128xi32, #tpu.memory_space<vmem>>
        %dma_start3A_190 = tpu.memref_squeeze %dma_start3A_189 : memref<1x128xi32, #tpu.memory_space<vmem>> -> memref<128xi32, #tpu.memory_space<vmem>>
        %dma_start3A_191 = arith.constant 0 : i32
        %dma_start3A_192 = arith.constant 0 : i32
        %dma_start3A_193 = tpu.memref_slice %arg14[%dma_start3A_191, %dma_start3A_192] : memref<10240x8xf32, #tpu.memory_space<vmem_shared>> -> memref<10240x8xf32, #tpu.memory_space<vmem_shared>>
        tpu.enqueue_indirect_dma source(%arg12 : memref<128x8xf32, #tpu.memory_space<vmem>>) target(%dma_start3A_193 : memref<10240x8xf32, #tpu.memory_space<vmem_shared>>) offsets(%dma_start3A_190 : memref<128xi32, #tpu.memory_space<vmem>>) semaphore(%arg17 : memref<!tpu.dma_semaphore, #tpu.memory_space<semaphore_mem>>) {add = true}
      } else {
      }
      %ge3A = arith.constant 2 : i32
      %ge3A_170 = arith.cmpi sge, %scan3A_145, %ge3A : i32
      %and3A = arith.andi %eq3A, %ge3A_170 : i1
      %convert_element_type3A_171 = arith.extui %and3A : i1 to i32
      %cond3A_172 = arith.constant 0 : i32
      %cond3A_173 = arith.cmpi ne, %convert_element_type3A_171, %cond3A_172 : i32
      scf.if %cond3A_173 {
        %dma_wait3A_188 = arith.constant 0 : i32
        %dma_wait3A_189 = arith.constant 0 : i32
        %dma_wait3A_190 = tpu.memref_slice %arg9[%dma_wait3A_188, %dma_wait3A_189] : memref<157x128xi32, #tpu.memory_space<vmem>> -> memref<1x128xi32, #tpu.memory_space<vmem>>
        %dma_wait3A_191 = tpu.memref_squeeze %dma_wait3A_190 : memref<1x128xi32, #tpu.memory_space<vmem>> -> memref<128xi32, #tpu.memory_space<vmem>>
        %dma_wait3A_192 = arith.constant 0 : i32
        %dma_wait3A_193 = arith.constant 0 : i32
        %dma_wait3A_194 = tpu.memref_slice %arg14[%dma_wait3A_192, %dma_wait3A_193] : memref<10240x8xf32, #tpu.memory_space<vmem_shared>> -> memref<10240x8xf32, #tpu.memory_space<vmem_shared>>
        tpu.wait_indirect_dma semaphore(%arg17 : memref<!tpu.dma_semaphore, #tpu.memory_space<semaphore_mem>>) src(%arg12 : memref<128x8xf32, #tpu.memory_space<vmem>>) dst(%dma_wait3A_194 : memref<10240x8xf32, #tpu.memory_space<vmem_shared>>)
      } else {
      }
      %ge3A_174 = arith.constant 2 : i32
      %ge3A_175 = arith.cmpi sge, %scan3A_145, %ge3A_174 : i32
      %convert_element_type3A_176 = arith.extui %ge3A_175 : i1 to i32
      %cond3A_177 = arith.constant 0 : i32
      %cond3A_178 = arith.cmpi ne, %convert_element_type3A_176, %cond3A_177 : i32
      scf.if %cond3A_178 {
        %add3A_188 = arith.constant 2 : i32
        %add3A_189 = arith.addi %scan3A_145, %add3A_188 : i32
        %rem3A_190 = arith.constant 4 : i32
        %rem3A_191 = arith.remsi %add3A_189, %rem3A_190 : i32
        %sub3A = arith.constant 2 : i32
        %sub3A_192 = arith.subi %scan3A_145, %sub3A : i32
        %dma_wait3A_193 = arith.constant 0 : i32
        %dma_wait3A_194 = arith.constant 0 : i32
        %dma_wait3A_195 = tpu.memref_slice %arg10[%rem3A_191, %dma_wait3A_193, %dma_wait3A_194] : memref<4x128x64xf32, #tpu.memory_space<vmem>> -> memref<1x128x64xf32, #tpu.memory_space<vmem>>
        %dma_wait3A_196 = tpu.memref_squeeze %dma_wait3A_195 : memref<1x128x64xf32, #tpu.memory_space<vmem>> -> memref<128x64xf32, #tpu.memory_space<vmem>>
        %dma_wait3A_197 = arith.constant 0 : i32
        %dma_wait3A_198 = tpu.memref_slice %arg9[%sub3A_192, %dma_wait3A_197] : memref<157x128xi32, #tpu.memory_space<vmem>> -> memref<1x128xi32, #tpu.memory_space<vmem>>
        %dma_wait3A_199 = tpu.memref_squeeze %dma_wait3A_198 : memref<1x128xi32, #tpu.memory_space<vmem>> -> memref<128xi32, #tpu.memory_space<vmem>>
        %dma_wait3A_200 = arith.constant 0 : i32
        %dma_wait3A_201 = arith.constant 0 : i32
        %dma_wait3A_202 = tpu.memref_slice %arg13[%dma_wait3A_200, %dma_wait3A_201] : memref<10240x64xf32, #tpu.memory_space<vmem_shared>> -> memref<10240x64xf32, #tpu.memory_space<vmem_shared>>
        tpu.wait_indirect_dma semaphore(%arg16 : memref<!tpu.dma_semaphore, #tpu.memory_space<semaphore_mem>>) src(%dma_wait3A_196 : memref<128x64xf32, #tpu.memory_space<vmem>>) dst(%dma_wait3A_202 : memref<10240x64xf32, #tpu.memory_space<vmem_shared>>)
      } else {
      }
      %ge3A_179 = arith.constant 2 : i32
      %ge3A_180 = arith.cmpi sge, %scan3A_145, %ge3A_179 : i32
      %add3A_181 = arith.constant 2 : i32
      %add3A_182 = arith.addi %scan3A_145, %add3A_181 : i32
      %lt3A = arith.constant 157 : i32
      %lt3A_183 = arith.cmpi slt, %add3A_182, %lt3A : i32
      %and3A_184 = arith.andi %ge3A_180, %lt3A_183 : i1
      %convert_element_type3A_185 = arith.extui %and3A_184 : i1 to i32
      %cond3A_186 = arith.constant 0 : i32
      %cond3A_187 = arith.cmpi ne, %convert_element_type3A_185, %cond3A_186 : i32
      scf.if %cond3A_187 {
        %add3A_188 = arith.constant 2 : i32
        %add3A_189 = arith.addi %scan3A_145, %add3A_188 : i32
        %add3A_190 = arith.constant 2 : i32
        %add3A_191 = arith.addi %scan3A_145, %add3A_190 : i32
        %rem3A_192 = arith.constant 4 : i32
        %rem3A_193 = arith.remsi %add3A_191, %rem3A_192 : i32
        %dma_start3A_194 = arith.constant 0 : i32
        %dma_start3A_195 = arith.constant 0 : i32
        %dma_start3A_196 = tpu.memref_slice %arg10[%rem3A_193, %dma_start3A_194, %dma_start3A_195] : memref<4x128x64xf32, #tpu.memory_space<vmem>> -> memref<1x128x64xf32, #tpu.memory_space<vmem>>
        %dma_start3A_197 = tpu.memref_squeeze %dma_start3A_196 : memref<1x128x64xf32, #tpu.memory_space<vmem>> -> memref<128x64xf32, #tpu.memory_space<vmem>>
        %dma_start3A_198 = arith.constant 0 : i32
        %dma_start3A_199 = tpu.memref_slice %arg8[%add3A_189, %dma_start3A_198] : memref<157x128xi32, #tpu.memory_space<vmem>> -> memref<1x128xi32, #tpu.memory_space<vmem>>
        %dma_start3A_200 = tpu.memref_squeeze %dma_start3A_199 : memref<1x128xi32, #tpu.memory_space<vmem>> -> memref<128xi32, #tpu.memory_space<vmem>>
        %dma_start3A_201 = arith.constant 0 : i32
        %dma_start3A_202 = arith.constant 0 : i32
        %dma_start3A_203 = tpu.memref_slice %arg2[%dma_start3A_201, %dma_start3A_202] : memref<20000x64xf32, #tpu.memory_space<hbm>> -> memref<20000x64xf32, #tpu.memory_space<hbm>>
        tpu.enqueue_indirect_dma source(%dma_start3A_203 : memref<20000x64xf32, #tpu.memory_space<hbm>>) target(%dma_start3A_197 : memref<128x64xf32, #tpu.memory_space<vmem>>) offsets(%dma_start3A_200 : memref<128xi32, #tpu.memory_space<vmem>>) semaphore(%arg15 : memref<!tpu.dma_semaphore, #tpu.memory_space<semaphore_mem>>)
      } else {
      }
    }
    %scan3A_107 = arith.constant 157 : i32
    %dma_wait3A = arith.constant 3 : i32
    %dma_wait3A_108 = arith.constant 155 : i32
    %dma_wait3A_109 = arith.constant 0 : i32
    %dma_wait3A_110 = arith.constant 0 : i32
    %dma_wait3A_111 = tpu.memref_slice %arg10[%dma_wait3A, %dma_wait3A_109, %dma_wait3A_110] : memref<4x128x64xf32, #tpu.memory_space<vmem>> -> memref<1x128x64xf32, #tpu.memory_space<vmem>>
    %dma_wait3A_112 = tpu.memref_squeeze %dma_wait3A_111 : memref<1x128x64xf32, #tpu.memory_space<vmem>> -> memref<128x64xf32, #tpu.memory_space<vmem>>
    %dma_wait3A_113 = arith.constant 0 : i32
    %dma_wait3A_114 = tpu.memref_slice %arg9[%dma_wait3A_108, %dma_wait3A_113] : memref<157x128xi32, #tpu.memory_space<vmem>> -> memref<1x128xi32, #tpu.memory_space<vmem>>
    %dma_wait3A_115 = tpu.memref_squeeze %dma_wait3A_114 : memref<1x128xi32, #tpu.memory_space<vmem>> -> memref<128xi32, #tpu.memory_space<vmem>>
    %dma_wait3A_116 = arith.constant 0 : i32
    %dma_wait3A_117 = arith.constant 0 : i32
    %dma_wait3A_118 = tpu.memref_slice %arg13[%dma_wait3A_116, %dma_wait3A_117] : memref<10240x64xf32, #tpu.memory_space<vmem_shared>> -> memref<10240x64xf32, #tpu.memory_space<vmem_shared>>
    tpu.wait_indirect_dma semaphore(%arg16 : memref<!tpu.dma_semaphore, #tpu.memory_space<semaphore_mem>>) src(%dma_wait3A_112 : memref<128x64xf32, #tpu.memory_space<vmem>>) dst(%dma_wait3A_118 : memref<10240x64xf32, #tpu.memory_space<vmem_shared>>)
    %dma_wait3A_119 = arith.constant 0 : i32
    %dma_wait3A_120 = arith.constant 156 : i32
    %dma_wait3A_121 = arith.constant 0 : i32
    %dma_wait3A_122 = arith.constant 0 : i32
    %dma_wait3A_123 = tpu.memref_slice %arg10[%dma_wait3A_119, %dma_wait3A_121, %dma_wait3A_122] : memref<4x128x64xf32, #tpu.memory_space<vmem>> -> memref<1x128x64xf32, #tpu.memory_space<vmem>>
    %dma_wait3A_124 = tpu.memref_squeeze %dma_wait3A_123 : memref<1x128x64xf32, #tpu.memory_space<vmem>> -> memref<128x64xf32, #tpu.memory_space<vmem>>
    %dma_wait3A_125 = arith.constant 0 : i32
    %dma_wait3A_126 = tpu.memref_slice %arg9[%dma_wait3A_120, %dma_wait3A_125] : memref<157x128xi32, #tpu.memory_space<vmem>> -> memref<1x128xi32, #tpu.memory_space<vmem>>
    %dma_wait3A_127 = tpu.memref_squeeze %dma_wait3A_126 : memref<1x128xi32, #tpu.memory_space<vmem>> -> memref<128xi32, #tpu.memory_space<vmem>>
    %dma_wait3A_128 = arith.constant 0 : i32
    %dma_wait3A_129 = arith.constant 0 : i32
    %dma_wait3A_130 = tpu.memref_slice %arg13[%dma_wait3A_128, %dma_wait3A_129] : memref<10240x64xf32, #tpu.memory_space<vmem_shared>> -> memref<10240x64xf32, #tpu.memory_space<vmem_shared>>
    tpu.wait_indirect_dma semaphore(%arg16 : memref<!tpu.dma_semaphore, #tpu.memory_space<semaphore_mem>>) src(%dma_wait3A_124 : memref<128x64xf32, #tpu.memory_space<vmem>>) dst(%dma_wait3A_130 : memref<10240x64xf32, #tpu.memory_space<vmem_shared>>)
    %dma_wait3A_131 = arith.constant 0 : i32
    %dma_wait3A_132 = arith.constant 0 : i32
    %dma_wait3A_133 = tpu.memref_slice %arg9[%dma_wait3A_131, %dma_wait3A_132] : memref<157x128xi32, #tpu.memory_space<vmem>> -> memref<1x128xi32, #tpu.memory_space<vmem>>
    %dma_wait3A_134 = tpu.memref_squeeze %dma_wait3A_133 : memref<1x128xi32, #tpu.memory_space<vmem>> -> memref<128xi32, #tpu.memory_space<vmem>>
    %dma_wait3A_135 = arith.constant 0 : i32
    %dma_wait3A_136 = arith.constant 0 : i32
    %dma_wait3A_137 = tpu.memref_slice %arg14[%dma_wait3A_135, %dma_wait3A_136] : memref<10240x8xf32, #tpu.memory_space<vmem_shared>> -> memref<10240x8xf32, #tpu.memory_space<vmem_shared>>
    tpu.wait_indirect_dma semaphore(%arg17 : memref<!tpu.dma_semaphore, #tpu.memory_space<semaphore_mem>>) src(%arg12 : memref<128x8xf32, #tpu.memory_space<vmem>>) dst(%dma_wait3A_137 : memref<10240x8xf32, #tpu.memory_space<vmem_shared>>)
    %barrier3A_138 = arith.constant 0 : index
    tpu.barrier barrier_id(%barrier3A_138)
    %mul3A_139 = arith.constant 640 : i32
    %mul3A_140 = arith.muli %arg1, %mul3A_139 : i32
    %mul3A_141 = arith.constant 64 : i32
    %mul3A_142 = arith.muli %arg0, %mul3A_141 : i32
    "tpu.region"() ({
      %run_scoped3A = tpu.sem_alloc : memref<!tpu.dma_semaphore, #tpu.memory_space<semaphore_mem>>
      %dma_start3A_145 = tpu.memref_slice %arg6[%mul3A_140, %mul3A_142] : memref<10240x128xf32, #tpu.memory_space<hbm>> -> memref<640x64xf32, #tpu.memory_space<hbm>>
      %dma_start3A_146 = arith.constant 0 : i32
      %dma_start3A_147 = tpu.memref_slice %arg13[%mul3A_140, %dma_start3A_146] : memref<10240x64xf32, #tpu.memory_space<vmem_shared>> -> memref<640x64xf32, #tpu.memory_space<vmem_shared>>
      tpu.enqueue_dma source(%dma_start3A_147 : memref<640x64xf32, #tpu.memory_space<vmem_shared>>) target(%dma_start3A_145 : memref<640x64xf32, #tpu.memory_space<hbm>>) target_semaphore(%run_scoped3A : memref<!tpu.dma_semaphore, #tpu.memory_space<semaphore_mem>>)
      %dma_wait3A_148 = tpu.memref_slice %arg6[%mul3A_140, %mul3A_142] : memref<10240x128xf32, #tpu.memory_space<hbm>> -> memref<640x64xf32, #tpu.memory_space<hbm>>
      %dma_wait3A_149 = arith.constant 0 : i32
      %dma_wait3A_150 = tpu.memref_slice %arg13[%mul3A_140, %dma_wait3A_149] : memref<10240x64xf32, #tpu.memory_space<vmem_shared>> -> memref<640x64xf32, #tpu.memory_space<vmem_shared>>
      tpu.wait_dma2 semaphore(%run_scoped3A : memref<!tpu.dma_semaphore, #tpu.memory_space<semaphore_mem>>) src(%dma_wait3A_150 : memref<640x64xf32, #tpu.memory_space<vmem_shared>>) dst(%dma_wait3A_148 : memref<640x64xf32, #tpu.memory_space<hbm>>)
      tpu.yield
    }) : () -> ()
    %mul3A_143 = arith.constant 8 : i32
    %mul3A_144 = arith.muli %arg0, %mul3A_143 : i32
    "tpu.region"() ({
      %run_scoped3A = tpu.sem_alloc : memref<!tpu.dma_semaphore, #tpu.memory_space<semaphore_mem>>
      %dma_start3A_145 = tpu.memref_slice %arg7[%mul3A_140, %mul3A_144] : memref<10240x128xf32, #tpu.memory_space<hbm>> -> memref<640x8xf32, #tpu.memory_space<hbm>>
      %dma_start3A_146 = arith.constant 0 : i32
      %dma_start3A_147 = tpu.memref_slice %arg14[%mul3A_140, %dma_start3A_146] : memref<10240x8xf32, #tpu.memory_space<vmem_shared>> -> memref<640x8xf32, #tpu.memory_space<vmem_shared>>
      tpu.enqueue_dma source(%dma_start3A_147 : memref<640x8xf32, #tpu.memory_space<vmem_shared>>) target(%dma_start3A_145 : memref<640x8xf32, #tpu.memory_space<hbm>>) target_semaphore(%run_scoped3A : memref<!tpu.dma_semaphore, #tpu.memory_space<semaphore_mem>>)
      %dma_wait3A_148 = tpu.memref_slice %arg7[%mul3A_140, %mul3A_144] : memref<10240x128xf32, #tpu.memory_space<hbm>> -> memref<640x8xf32, #tpu.memory_space<hbm>>
      %dma_wait3A_149 = arith.constant 0 : i32
      %dma_wait3A_150 = tpu.memref_slice %arg14[%mul3A_140, %dma_wait3A_149] : memref<10240x8xf32, #tpu.memory_space<vmem_shared>> -> memref<640x8xf32, #tpu.memory_space<vmem_shared>>
      tpu.wait_dma2 semaphore(%run_scoped3A : memref<!tpu.dma_semaphore, #tpu.memory_space<semaphore_mem>>) src(%dma_wait3A_150 : memref<640x8xf32, #tpu.memory_space<vmem_shared>>) dst(%dma_wait3A_148 : memref<640x8xf32, #tpu.memory_space<hbm>>)
      tpu.yield
    }) : () -> ()
    return
  }
}

module attributes {stable_mosaic.version = 14 : i64} {
  func.func @body(%arg0: i32, %arg1: memref<1000x128xf32, #tpu.memory_space<vmem>>, %arg2: memref<1000x128xf32, #tpu.memory_space<vmem>>, %arg3: memref<128x64xf32, #tpu.memory_space<vmem>>, %arg4: memref<1x64xf32, #tpu.memory_space<vmem>>, %arg5: memref<64x128xf32, #tpu.memory_space<vmem>>, %arg6: memref<1x128xf32, #tpu.memory_space<vmem>>, %arg7: memref<1000x128xf32, #tpu.memory_space<vmem>>, %arg8: memref<1000x64xf32, #tpu.memory_space<vmem>>, %arg9: memref<1x1xf32, #tpu.memory_space<vmem>>, %arg10: memref<1x1xf32, #tpu.memory_space<smem>>) attributes {dimension_semantics = [#tpu.dimension_semantics<arbitrary>], iteration_bounds = array<i64: 10>, scalar_prefetch = 0 : i64, scratch_operands = 1 : i64, tpu.core_type = #tpu.core_type<tc>, window_params = [{transform_indices = @transform_0, window_bounds = array<i64: 1000, 128>}, {transform_indices = @transform_1, window_bounds = array<i64: 1000, 128>}, {pipeline_mode = #tpu.pipeline_mode<synchronous>, transform_indices = @transform_2, window_bounds = array<i64: 128, 64>}, {pipeline_mode = #tpu.pipeline_mode<synchronous>, transform_indices = @transform_3, window_bounds = array<i64: 1, 64>}, {pipeline_mode = #tpu.pipeline_mode<synchronous>, transform_indices = @transform_4, window_bounds = array<i64: 64, 128>}, {pipeline_mode = #tpu.pipeline_mode<synchronous>, transform_indices = @transform_5, window_bounds = array<i64: 1, 128>}, {transform_indices = @transform_6, window_bounds = array<i64: 1000, 128>}, {transform_indices = @transform_7, window_bounds = array<i64: 1000, 64>}, {pipeline_mode = #tpu.pipeline_mode<synchronous>, transform_indices = @transform_8, window_bounds = array<i64: 1, 1>}]} {
    %get3A = arith.constant 0 : index
    %get3A_0 = arith.constant 0 : index
    %get3A_1 = vector.load %arg1[%get3A, %get3A_0] : memref<1000x128xf32, #tpu.memory_space<vmem>>, vector<1000x128xf32>
    %get3A_2 = arith.constant 0 : index
    %get3A_3 = arith.constant 0 : index
    %get3A_4 = vector.load %arg2[%get3A_2, %get3A_3] : memref<1000x128xf32, #tpu.memory_space<vmem>>, vector<1000x1xf32>
    %get3A_5 = arith.constant 0 : index
    %get3A_6 = arith.constant 8 : index
    %get3A_7 = vector.load %arg2[%get3A_5, %get3A_6] : memref<1000x128xf32, #tpu.memory_space<vmem>>, vector<1000x1xf32>
    %add3A = arith.addf %get3A_4, %get3A_7 : vector<1000x1xf32>
    %max3A = arith.constant 1.000000e+00 : f32
    %max3A_8 = vector.broadcast %max3A : f32 to vector<1000x1xf32>
    %max3A_9 = arith.maximumf %add3A, %max3A_8 : vector<1000x1xf32>
    %div3A = vector.broadcast %max3A_9 : vector<1000x1xf32> to vector<1000x128xf32>
    %div3A_10 = arith.divf %get3A_1, %div3A : vector<1000x128xf32>
    %get3A_11 = arith.constant 0 : index
    %get3A_12 = arith.constant 0 : index
    %get3A_13 = vector.load %arg3[%get3A_11, %get3A_12] : memref<128x64xf32, #tpu.memory_space<vmem>>, vector<128x64xf32>
    %dot_general3A = arith.constant dense<0.000000e+00> : vector<1000x64xf32>
    %dot_general3A_14 = tpu.matmul %div3A_10, %get3A_13, %dot_general3A {dimension_numbers = #tpu.dot_dimension_numbers<[1], [0], [0], [1], [0, 0, 1, 1], [], []>, transpose_lhs_hint = false} : vector<1000x128xf32>, vector<128x64xf32>, vector<1000x64xf32> -> vector<1000x64xf32>
    %get3A_15 = arith.constant 0 : index
    %get3A_16 = arith.constant 0 : index
    %get3A_17 = vector.load %arg4[%get3A_15, %get3A_16] : memref<1x64xf32, #tpu.memory_space<vmem>>, vector<1x64xf32>
    %add3A_18 = vector.broadcast %get3A_17 : vector<1x64xf32> to vector<1000x64xf32>
    %add3A_19 = arith.addf %dot_general3A_14, %add3A_18 : vector<1000x64xf32>
    %max3A_20 = arith.constant 0.000000e+00 : f32
    %max3A_21 = vector.broadcast %max3A_20 : f32 to vector<1000x64xf32>
    %max3A_22 = arith.maximumf %add3A_19, %max3A_21 : vector<1000x64xf32>
    %get3A_23 = arith.constant 0 : index
    %get3A_24 = arith.constant 0 : index
    %get3A_25 = vector.load %arg5[%get3A_23, %get3A_24] : memref<64x128xf32, #tpu.memory_space<vmem>>, vector<64x128xf32>
    %dot_general3A_26 = arith.constant dense<0.000000e+00> : vector<1000x128xf32>
    %dot_general3A_27 = tpu.matmul %max3A_22, %get3A_25, %dot_general3A_26 {dimension_numbers = #tpu.dot_dimension_numbers<[1], [0], [0], [1], [0, 0, 1, 1], [], []>, transpose_lhs_hint = false} : vector<1000x64xf32>, vector<64x128xf32>, vector<1000x128xf32> -> vector<1000x128xf32>
    %get3A_28 = arith.constant 0 : index
    %get3A_29 = arith.constant 0 : index
    %get3A_30 = vector.load %arg6[%get3A_28, %get3A_29] : memref<1x128xf32, #tpu.memory_space<vmem>>, vector<1x128xf32>
    %add3A_31 = vector.broadcast %get3A_30 : vector<1x128xf32> to vector<1000x128xf32>
    %add3A_32 = arith.addf %dot_general3A_27, %add3A_31 : vector<1000x128xf32>
    %max3A_33 = arith.constant 0.000000e+00 : f32
    %max3A_34 = vector.broadcast %max3A_33 : f32 to vector<1000x128xf32>
    %max3A_35 = arith.maximumf %add3A_32, %max3A_34 : vector<1000x128xf32>
    %swap3A = arith.constant 0 : index
    %swap3A_36 = arith.constant 0 : index
    %swap3A_37 = vector.load %arg7[%swap3A, %swap3A_36] : memref<1000x128xf32, #tpu.memory_space<vmem>>, vector<1000x128xf32>
    tpu.vector_store %arg7[%swap3A, %swap3A_36], %max3A_35 {strides = array<i32>} : memref<1000x128xf32, #tpu.memory_space<vmem>>, vector<1000x128xf32>,
    %swap3A_38 = arith.constant 0 : index
    %swap3A_39 = arith.constant 0 : index
    %swap3A_40 = vector.load %arg8[%swap3A_38, %swap3A_39] : memref<1000x64xf32, #tpu.memory_space<vmem>>, vector<1000x64xf32>
    tpu.vector_store %arg8[%swap3A_38, %swap3A_39], %max3A_22 {strides = array<i32>} : memref<1000x64xf32, #tpu.memory_space<vmem>>, vector<1000x64xf32>,
    %sub3A = arith.subf %max3A_35, %div3A_10 : vector<1000x128xf32>
    %mul3A = arith.mulf %sub3A, %sub3A : vector<1000x128xf32>
    %reduce_sum3A = vector.shape_cast %mul3A : vector<1000x128xf32> to vector<1x1000x128xf32>
    %reduce_sum3A_41 = arith.constant dense<0.000000e+00> : vector<1xf32>
    %reduce_sum3A_42 = vector.multi_reduction <add>, %reduce_sum3A, %reduce_sum3A_41 [1, 2] : vector<1x1000x128xf32> to vector<1xf32>
    %reduce_sum3A_43 = vector.shape_cast %reduce_sum3A_42 : vector<1xf32> to vector<1x1x1xf32>
    %reduce_sum3A_44 = vector.extract %reduce_sum3A_43[0, 0, 0] : f32 from vector<1x1x1xf32>
    %eq3A = arith.constant 0 : i32
    %eq3A_45 = arith.cmpi eq, %arg0, %eq3A : i32
    %convert_element_type3A = arith.extui %eq3A_45 : i1 to i32
    %cond3A = arith.constant 0 : i32
    %cond3A_46 = arith.cmpi ne, %convert_element_type3A, %cond3A : i32
    scf.if %cond3A_46 {
      %swap3A_59 = arith.constant 0.000000e+00 : f32
      %swap3A_60 = arith.constant 0 : index
      %swap3A_61 = arith.constant 0 : index
      %swap3A_62 = memref.load %arg10[%swap3A_60, %swap3A_61] : memref<1x1xf32, #tpu.memory_space<smem>>
      memref.store %swap3A_59, %arg10[%swap3A_60, %swap3A_61] : memref<1x1xf32, #tpu.memory_space<smem>>
    } else {
    }
    %get3A_47 = arith.constant 0 : index
    %get3A_48 = arith.constant 0 : index
    %get3A_49 = memref.load %arg10[%get3A_47, %get3A_48] : memref<1x1xf32, #tpu.memory_space<smem>>
    %add3A_50 = arith.addf %get3A_49, %reduce_sum3A_44 : f32
    %swap3A_51 = arith.constant 0 : index
    %swap3A_52 = arith.constant 0 : index
    %swap3A_53 = memref.load %arg10[%swap3A_51, %swap3A_52] : memref<1x1xf32, #tpu.memory_space<smem>>
    memref.store %add3A_50, %arg10[%swap3A_51, %swap3A_52] : memref<1x1xf32, #tpu.memory_space<smem>>
    %eq3A_54 = arith.constant 9 : i32
    %eq3A_55 = arith.cmpi eq, %arg0, %eq3A_54 : i32
    %convert_element_type3A_56 = arith.extui %eq3A_55 : i1 to i32
    %cond3A_57 = arith.constant 0 : i32
    %cond3A_58 = arith.cmpi ne, %convert_element_type3A_56, %cond3A_57 : i32
    scf.if %cond3A_58 {
      %get3A_59 = arith.constant 0 : index
      %get3A_60 = arith.constant 0 : index
      %get3A_61 = memref.load %arg10[%get3A_59, %get3A_60] : memref<1x1xf32, #tpu.memory_space<smem>>
      %mul3A_62 = arith.constant 7.812500e-07 : f32
      %mul3A_63 = arith.mulf %get3A_61, %mul3A_62 : f32
      %broadcast_in_dim3A = vector.broadcast %mul3A_63 : f32 to vector<1x1xf32>
      %swap3A_64 = arith.constant 0 : index
      %swap3A_65 = arith.constant 0 : index
      %swap3A_66 = vector.load %arg9[%swap3A_64, %swap3A_65] : memref<1x1xf32, #tpu.memory_space<vmem>>, vector<1x1xf32>
      tpu.vector_store %arg9[%swap3A_64, %swap3A_65], %broadcast_in_dim3A {strides = array<i32>} : memref<1x1xf32, #tpu.memory_space<vmem>>, vector<1x1xf32>,
    } else {
    }
    return
  }
  func.func @transform_0(%arg0: i32) -> (i32, i32) {
    %c0_i32 = arith.constant 0 : i32
    %c0_i32_0 = arith.constant 0 : i32
    return %arg0, %c0_i32 : i32, i32
  }
  func.func @transform_1(%arg0: i32) -> (i32, i32) {
    %c0_i32 = arith.constant 0 : i32
    %c0_i32_0 = arith.constant 0 : i32
    return %arg0, %c0_i32 : i32, i32
  }
  func.func @transform_2(%arg0: i32) -> (i32, i32) {
    %c0_i32 = arith.constant 0 : i32
    %c0_i32_0 = arith.constant 0 : i32
    %c0_i32_1 = arith.constant 0 : i32
    return %c0_i32, %c0_i32_0 : i32, i32
  }
  func.func @transform_3(%arg0: i32) -> (i32, i32) {
    %c0_i32 = arith.constant 0 : i32
    %c0_i32_0 = arith.constant 0 : i32
    %c0_i32_1 = arith.constant 0 : i32
    return %c0_i32, %c0_i32_0 : i32, i32
  }
  func.func @transform_4(%arg0: i32) -> (i32, i32) {
    %c0_i32 = arith.constant 0 : i32
    %c0_i32_0 = arith.constant 0 : i32
    %c0_i32_1 = arith.constant 0 : i32
    return %c0_i32, %c0_i32_0 : i32, i32
  }
  func.func @transform_5(%arg0: i32) -> (i32, i32) {
    %c0_i32 = arith.constant 0 : i32
    %c0_i32_0 = arith.constant 0 : i32
    %c0_i32_1 = arith.constant 0 : i32
    return %c0_i32, %c0_i32_0 : i32, i32
  }
  func.func @transform_6(%arg0: i32) -> (i32, i32) {
    %c0_i32 = arith.constant 0 : i32
    %c0_i32_0 = arith.constant 0 : i32
    return %arg0, %c0_i32 : i32, i32
  }
  func.func @transform_7(%arg0: i32) -> (i32, i32) {
    %c0_i32 = arith.constant 0 : i32
    %c0_i32_0 = arith.constant 0 : i32
    return %arg0, %c0_i32 : i32, i32
  }
  func.func @transform_8(%arg0: i32) -> (i32, i32) {
    %c0_i32 = arith.constant 0 : i32
    %c0_i32_0 = arith.constant 0 : i32
    %c0_i32_1 = arith.constant 0 : i32
    return %c0_i32, %c0_i32_0 : i32, i32
  }
}

</mosaic_0001>

<sc_bundles>
// kernel: kernel.4.cloned.1.call-start
scs
__scs_entry_jumppad:
0x0: {  	(pc) =	sbr.rel $0x88, $3  }
0x1: {  	(tag) =	ssettag $0x0;
	lr =	simm.s32 $0x1  }
0x2: {  	[smem:$0x3F9B] =	sst lr;
	_ =	strace $0xD0000000  }
0x3: {  	_ = 	snop  }
0x4: {  	_ = 	snop  }
0x5: {  	_ = 	snop  }
0x6: {  	_ = 	snop  }
0x7: {  	_ = 	snop  }
__scs_overlays_trampoline_lowered:
0x8: {  	[smem:$0x3FAA] =	sst s0  }
0x9: {  	[smem:$0x3FAB] =	sst s1  }
0xa: {  	[smem:$0x3FAC] =	sst s2  }
0xb: {  	[smem:$0x3FAD] =	sst s3  }
0xc: {  	[smem:$0x3FAE] =	sst s4  }
0xd: {  	[smem:$0x3FAF] =	sst s5  }
0xe: {  	[smem:$0x3FB0] =	sst s6  }
0xf: {  	[smem:$0x3FB1] =	sst s7  }
0x10: {  	[smem:$0x3FB2] =	sst s8  }
0x11: {  	[smem:$0x3FB3] =	sst s9;
	s0 =	simm.s32 @!p0 $0x0  }
0x12: {  	s1 =	sld [smem:$0x3F99];
	s0 =	simm.s32 @p0 $0x1  }
0x13: {  	[smem:$0x3FB4] =	sst s0;
	s0 =	simm.s32 @!p1 $0x0  }
0x14: {  	s2 =	sld [smem:$0x3F98];
	s0 =	simm.s32 @p1 $0x1  }
0x15: {  	[smem:$0x3FB5] =	sst s0;
	s0 =	simm.s32 @!p2 $0x0  }
0x16: {  	s3 =	sld [smem:$0x3FDB];
	s0 =	simm.s32 @p2 $0x1  }
0x17: {  	s4 =	simm.s32 $0x1BF5;
	[smem:$0x3FB7] =	sst s0  }
0x18: {  	s0 =	sld [smem:$0x3F9A];
	_ =	swait.ge [sflag:s4], $0x0  }
0x19: {  	s7 =	sld [smem:$0x3F9B]  }
0x1a: {  	s8 =	sadd.s32 $0xFFFFE003, lr  }
0x1b: {  	s9 =	sadd.s32 $0xFFFFFEF7, lr;
	s5 =	simm.s32 $0xFFFFFFFF;
	p2 =	slt.u32 s8, $0xFFFFF086  }
0x1c: {  	p1 =	slt.u32 s9, $0xF7A;
	s5 =	simm.s32 @!p2 $0x0  }
0x1d: {  	s5 =	simm.s32 @p1 $0x1;
	p0 =	seq.s32 s7, s2  }
0x1e: {  	s7 =	smul.u32 @!p0 $0xF7A, s2;
	p2 =	seq.s32 @!p0 s5, $0x0  }
0x1f: {  	s9 =	smul.u32 $0xF7A, s1;
	s8 =	simm.s32 @!p0 $0x1BF5;
	p2 =	por !p2, p0  }
0x20: {  	[sflag:s8] =	ssyncset.s32 @!p0 $0xFFFFF086;
	s6 =	sadd.s32 @!p0 s3, s7;
	s7 =	simm.s32 @!p0 $0x108  }
0x21: {  	s3 =	sadd.s32 s3, s9;
	s6 =	sadd.s32 @!p0 $0x88, s6;
	s7 =	simm.s32 @p2 $0x1082  }
0x22: {  	[simem:s7], [sflag:s8] =	dma.local @!p0 [hbm:s6], $0xF7A  }
0x23: {  	s9 =	sor.u32 $0xD0000000, s2;
	s6 =	simm.s32 $0x108;
	_ =	swait.ge @!p0 [sflag:s8], $0x0  }
0x24: {  	s3 =	sadd.s32 $0x88, s3;
	s6 =	simm.s32 @!p1 $0x1082;
	[sflag:s4] =	ssyncset.s32 $0xFFFFF086  }
0x25: {  	[simem:s6], [sflag:s4] =	dma.local [hbm:s3], $0xF7A  }
0x26: {  	[smem:$0x3F9B] =	sst s1;
	(tag) =	ssettag s2;
	_ =	strace s9  }
0x27: {  	s1 =	sld [smem:$0x3FAB]  }
0x28: {  	s2 =	sld [smem:$0x3FAC]  }
0x29: {  	s4 =	sld [smem:$0x3FAE]  }
0x2a: {  	p0 =	seq.s32 s5, $0x0;
	s5 =	sld [smem:$0x3FAF]  }
0x2b: {  	s6 =	sld [smem:$0x3FB0]  }
0x2c: {  	s7 =	sld [smem:$0x3FB1]  }
0x2d: {  	s3 =	simm.s32 $0x108;
	s8 =	sld [smem:$0x3FB2]  }
0x2e: {  	s3 =	simm.s32 @!p0 $0x1082;
	s9 =	sld [smem:$0x3FB3]  }
0x2f: {  	lr =	sadd.s32 s0, s3;
	s0 =	sld [smem:$0x3FAA]  }
0x30: {  	s3 =	sld [smem:$0x3FAD]  }
0x31: {  	[smem:$0x3FB6] =	sst s10  }
0x32: {  	s10 =	sld [smem:$0x3FB4];
	_ =	sdelay $0x3  }
0x33: {  	p0 =	seq.s32 s10, $0x1;
	s10 =	sld [smem:$0x3FB6];
	_ =	sdelay $0x3  }
0x34: {  	[smem:$0x3FB6] =	sst s10  }
0x35: {  	s10 =	sld [smem:$0x3FB5];
	_ =	sdelay $0x3  }
0x36: {  	p1 =	seq.s32 s10, $0x1;
	s10 =	sld [smem:$0x3FB6];
	_ =	sdelay $0x3  }
0x37: {  	[smem:$0x3FB6] =	sst s10  }
0x38: {  	s10 =	sld [smem:$0x3FB7]  }
0x39: {  	_ = 	snop;
	(pc) =	sbr.ind lr, $3  }
0x3a: {  	_ = 	snop  }
0x3b: {  	_ = 	snop  }
0x3c: {  	p2 =	seq.s32 s10, $0x1;
	s10 =	sld [smem:$0x3FB6]  }
0x3d: {  	_ =	shalt  }
0x3e: {  	_ =	shalt  }
0x3f: {  	_ =	shalt  }
0x40: {  	_ =	shalt  }
0x41: {  	_ =	shalt  }
0x42: {  	_ =	shalt  }
0x43: {  	_ =	shalt  }
0x44: {  	_ =	shalt  }
0x45: {  	_ =	shalt  }
0x46: {  	_ =	shalt  }
0x47: {  	_ =	shalt  }
0x48: {  	_ =	shalt  }
0x49: {  	_ =	shalt  }
0x4a: {  	_ =	shalt  }
0x4b: {  	_ =	shalt  }
0x4c: {  	_ =	shalt  }
0x4d: {  	_ =	shalt  }
0x4e: {  	_ =	shalt  }
0x4f: {  	_ =	shalt  }
0x50: {  	_ =	shalt  }
0x51: {  	_ =	shalt  }
0x52: {  	_ =	shalt  }
0x53: {  	_ =	shalt  }
0x54: {  	_ =	shalt  }
0x55: {  	_ =	shalt  }
0x56: {  	_ =	shalt  }
0x57: {  	_ =	shalt  }
0x58: {  	_ =	shalt  }
0x59: {  	_ =	shalt  }
0x5a: {  	_ =	shalt  }
0x5b: {  	_ =	shalt  }
0x5c: {  	_ =	shalt  }
0x5d: {  	_ =	shalt  }
0x5e: {  	_ =	shalt  }
0x5f: {  	_ =	shalt  }
0x60: {  	_ =	shalt  }
0x61: {  	_ =	shalt  }
0x62: {  	_ =	shalt  }
0x63: {  	_ =	shalt  }
0x64: {  	_ =	shalt  }
0x65: {  	_ =	shalt  }
0x66: {  	_ =	shalt  }
0x67: {  	_ =	shalt  }
0x68: {  	_ =	shalt  }
0x69: {  	_ =	shalt  }
0x6a: {  	_ =	shalt  }
0x6b: {  	_ =	shalt  }
0x6c: {  	_ =	shalt  }
0x6d: {  	_ =	shalt  }
0x6e: {  	_ =	shalt  }
0x6f: {  	_ =	shalt  }
0x70: {  	_ =	shalt  }
0x71: {  	_ =	shalt  }
0x72: {  	_ =	shalt  }
0x73: {  	_ =	shalt  }
0x74: {  	_ =	shalt  }
0x75: {  	_ =	shalt  }
0x76: {  	_ =	shalt  }
0x77: {  	_ =	shalt  }
0x78: {  	_ =	shalt  }
0x79: {  	_ =	shalt  }
0x7a: {  	_ =	shalt  }
0x7b: {  	_ =	shalt  }
0x7c: {  	_ =	shalt  }
0x7d: {  	_ =	shalt  }
0x7e: {  	_ =	shalt  }
0x7f: {  	_ =	shalt  }
0x80: {  	_ =	shalt  }
0x81: {  	_ =	shalt  }
0x82: {  	_ =	shalt  }
0x83: {  	_ =	shalt  }
0x84: {  	_ =	shalt  }
0x85: {  	_ =	shalt  }
0x86: {  	_ =	shalt  }
0x87: {  	_ =	shalt  }
.Lfunc_end0:
.L_simem_size_0:
called_computation_lowered:
.L_overlay_start_0:
0x88: {  	s2 =	sld [smem:$0x3FD9]  }
0x89: {  	s3 =	sld [smem:$0x3FFE];
	_ =	sdelay $0x1  }
0x8a: {  	s1 =	srdreg.scid  }
0x8b: {  	s0 =	sand.u32 $0x1, s1  }
0x8c: {  	s14 =	sshll.u32 s0, $0xA;
	s2 =	sadd.s32 s3, s2  }
0x8d: {  	s2 =	sadd.s32 s2, s14  }
0x8e: {  	[smem:$0x3FC2] =	sst s2  }
0x8f: {  	_ = 	snop  }
0x90: {  	s2 =	sld [smem:$0x3FD0];
	_ =	sdelay $0x2  }
0x91: {  	s4 =	simm.s32 $0xA;
	s5 =	simm.s32 $0x10;
	s15 =	sld [smem:$0x3FC9]  }
0x92: {  	[smem:s5], [sflag:s4] =	dma.local [hbm:s2], $0x1  }
0x93: {  	_ =	swait.eq [sflag:s4], $0x1  }
0x94: {  	[sflag:s4] =	ssyncset.done $0x0  }
0x95: {  	s16 =	sld [smem:$0x10];
	[sflag:s4] =	ssyncadd.s32 $0xFFFFFFFF  }
0x96: {  	s17 =	sld [smem:$0x11];
	(tm) =	ssettm $0x1  }
0x97: {  	s18 =	sld [smem:$0x3FFB];
	_ =	sdelay $0x3  }
0x98: {  	_ =	strace s18  }
0x99: {  	s5 =	sld [smem:$0x3FFC];
	_ =	sdelay $0x3  }
0x9a: {  	_ =	strace s5  }
0x9b: {  	s5 =	sld [smem:$0x3FFD];
	_ =	sdelay $0x3  }
0x9c: {  	_ =	strace s5  }
0x9d: {  	_ =	strace $0x8FFFFFFF  }
0x9e: {  	s19 =	sld [smem:$0x3FDB];
	_ =	sdelay $0x1  }
0x9f: {  	s6 =	simm.s32 $_scs_section_size  }
0xa0: {  	s7 =	simm.s32 $_size__tile_overlayer_lowered;
	s8 =	simm.s32 $_tile_overlayer_lowered  }
0xa1: {  	s22 =	simm.s32 $0x1BFF;
	s21 =	sshll.u32 s8, $0x1;
	s5 =	sadd.s32 s6, s19  }
0xa2: {  	s9 =	simm.s32 $0x0;
	s20 =	sshll.u32 s7, $0x1;
	s7 =	sadd.s32 s21, s5  }
0xa3: {  	[timem:s9], [sflag:s22] =	dma.local [hbm:s7], s20  }
0xa4: {  	_ =	swait.ge [sflag:s22], s20  }
0xa5: {  	s6 =	ssub.s32 $0x0, s20;
	[sflag:s22] =	ssyncset.done $0x0  }
0xa6: {  	[sflag:s22] =	ssyncadd.s32 s6;
	_ =	sdelay $0x1  }
0xa7: {  	s23 =	simm.s32 $0x1B8B  }
0xa8: {  	_ =	swait.ge [sflag:s23], $0x1  }
0xa9: {  	[sflag:s23] =	ssyncset.done $0x0  }
0xaa: {  	s25 =	simm.s32 $0x1B8E;
	s24 =	sld [smem:$0x3FFE];
	[sflag:s23] =	ssyncadd.s32 $0xFFFFFFFF  }
0xab: {  	s26 =	simm.s32 $execute0_lowered;
	[smem:$0x3FD2] =	sst s25  }
0xac: {  	s7 =	sshll.u32 s26, $0x1;
	_ =	strace $0x80000046;
	[dreg:$0x1] =	wrdreg $0xFFFFFFFF  }
0xad: {  	s28 =	simm.s32 $_size_execute0_lowered;
	s5 =	sadd.s32 s5, s7;
	[dreg:$0x0] =	wrdreg $0x0  }
0xae: {  	s7 =	sshll.u32 s28, $0x1;
	[dreg:$0x2] =	wrdreg s5  }
0xaf: {  	[dreg:$0x3] =	wrdreg s7  }
0xb0: {  	[dreg:$0x4] =	wrdreg $0xC0  }
0xb1: {  	_ =	task [dreg:s9], $0x5FFFF  }
0xb2: {  	[dreg:$0x1] =	wrdreg $0xFFFFFFFF  }
0xb3: {  	[dreg:$0x0] =	wrdreg $0x60  }
0xb4: {  	[dreg:$0x2] =	wrdreg s15  }
0xb5: {  	[dreg:$0x3] =	wrdreg s17  }
0xb6: {  	[dreg:$0x4] =	wrdreg s16  }
0xb7: {  	[dreg:$0x5] =	wrdreg s24  }
0xb8: {  	[dreg:$0x6] =	wrdreg $0x135000  }
0xb9: {  	[dreg:$0x7] =	wrdreg $0x1D5000  }
0xba: {  	[dreg:$0x8] =	wrdreg $0x9  }
0xbb: {  	_ =	task.clear_ibuf [dreg:s9], $0x9FFFF;
	_ =	strace $0x90000046  }
0xbc: {  	s29 =	simm.s32 $0x9;
	_ =	strace $0x80000048  }
0xbd: {  	_ =	swait.ge [sflag:s29], $0x1  }
0xbe: {  	[sflag:s29] =	ssyncadd.s32 $0xFFFFFFFF  }
0xbf: {  	_ =	strace $0x90000048  }
0xc0: {  	_ =	sfence  }
0xc1: {  	s30 =	sld [smem:$0x0];
	_ =	sdelay $0x2  }
0xc2: {  	s31 =	sshll.u32 s1, $0xD;
	s1 =	sshrl.u32 s1, $0x2  }
0xc3: {  	s3 =	sand.u32 $0x4000, s31;
	s1 =	sadd.s32 s1, s30  }
0xc4: {  	s0 =	sor.u32 s3, s0;
	s1 =	sshll.u32 s1, $0x11  }
0xc5: {  	s0 =	sor.u32 s1, s0  }
0xc6: {  	s0 =	sadd.s32 $0x8F2B, s0  }
0xc7: {  	[sflag:s0] =	ssyncadd.remote.s32 $0x1  }
0xc8: {  	_ =	sfence.sel $0xFFFF  }
0xc9: {  	[dreg:$0x0] =	wrdreg $0xFFFFFFFF;
	(pc) =	sbr.abs _section_cstart, $3  }
0xca: {  	[dreg:$0x1] =	wrdreg $0xFFFFFFFF  }
0xcb: {  	_ =	task.clear_ibuf [dreg:s9], $0x2FFFF;
	_ =	strace $0x9FFFFFFF  }
0xcc: {  	(tm) =	ssettm $0x7FFFFFFF  }
0xcd: {  	_ =	shalt  }
tec
execute0_lowered:
.L_overlay_start_1:
0x0: {  	(tag) =	ssettag $0x1  }
0x1: {  	s1 =	rddreg [dreg:$0x0]  }
0x2: {  	s0 =	rddreg [dreg:$0x1]  }
0x3: {  	s2 =	rddreg [dreg:$0x2]  }
0x4: {  	s7 =	rddreg [dreg:$0x3]  }
0x5: {  	s3 =	rddreg [dreg:$0x4]  }
0x6: {  	s4 =	rddreg [dreg:$0x5]  }
0x7: {  	s6 =	srdreg.scid;
	s15 =	stileid.u32  }
0x8: {  	s5 =	simm.s32 $0x0;
	s30 =	simm.s32 $0x4;
	s8 =	smul.u32 $0x14000, s15  }
0x9: {  	s6 =	sand.u32 $0x1, s6;
	[smem:$0x7FF] =	sst s5;
	s26 =	smul.u32 $0x5000, s15  }
0xa: {  	s10 =	sadd.s32 $0xE00, s7;
	s11 =	smul.u32 $0x9D0, s15;
	s9 =	sshll.u32 s6, $0x6  }
0xb: {  	_ =	strace $0x80000047;
	[dreg:$0x7] =	wrdreg s10;
	s28 =	ssub.s32 $0x2, s6  }
0xc: {  	p0 =	sne.s32 s6, $0x0;
	p1 =	seq.s32 s6, $0x0;
	s9 =	sor.u32 s9, s8  }
0xd: {  	s12 =	sshrl.u32 s28, $0x1;
	s10 =	sshrl.u32 s26, $0x2;
	s0 =	sadd.s32 s0, s11  }
0xe: {  	s31 =	sadd.s32 s2, s11;
	s2 =	smul.u32 $0x28000, s15;
	[dreg:$0x8] =	wrdreg s0  }
0xf: {  	s9 =	sshrl.u32 s9, $0x3;
	s20 =	ssub.s32 s28, s12;
	[dreg:$0x9] =	wrdreg s31  }
0x10: {  	s18 =	sadd.s32 s9, s7;
	s7 =	sadd.s32 s6, s7;
	s9 =	sadd.s32 s10, s4  }
0x11: {  	s10 =	sshrl.u32 s8, $0x3;
	s0 =	sshrl.u32 s2, $0x2;
	s22 =	smax.u32 s20, $0x1  }
0x12: {  	s8 =	simm.s32 $0x1;
	s20 =	simm.s32 $0x10;
	s11 =	sadd.s32 $0x280, s9  }
0x13: {  	s12 =	sadd.s32 $0x500, s9;
	s13 =	sadd.s32 $0x780, s9;
	s14 =	sadd.s32 $0xA00, s9  }
0x14: {  	s2 =	sadd.s32 s10, s7;
	s19 =	sadd.s32 $0x1000, s18;
	[dreg:$0xc] =	wrdreg s22  }
0x15: {  	[dreg:$0xa] =	wrdreg s19;
	s19 =	sadd.s32 s0, s3;
	s21 =	sadd.s32 $0x29000, s2  }
0x16: {  	s15 =	sadd.s32 $0xC80, s9;
	[dreg:$0xb] =	wrdreg s21;
	s23 =	sadd.s32 $0x1400, s19  }
0x17: {  	s16 =	sadd.s32 $0xF00, s9;
	s24 =	sadd.s32 $0x2800, s19;
	[dreg:$0xd] =	wrdreg s23  }
0x18: {  	s17 =	sadd.s32 $0x1180, s9;
	s25 =	sadd.s32 $0x3C00, s19;
	[dreg:$0xe] =	wrdreg s24  }
0x19: {  	s10 =	simm.s32 $0x2;
	s26 =	sadd.s32 $0x5000, s19;
	[dreg:$0xf] =	wrdreg s25  }
0x1a: {  	s18 =	simm.s32 $0x3;
	s28 =	sadd.s32 $0x6400, s19;
	[dreg:$0x10] =	wrdreg s26  }
0x1b: {  	s0 =	simm.s32 $0x80;
	s31 =	sadd.s32 $0x7800, s19;
	[dreg:$0x11] =	wrdreg s28  }
0x1c: {  	s29 =	sadd.s32 $0x8C00, s19;
	s21 =	simm.s32 $0x0;
	[dreg:$0x12] =	wrdreg s31  }
0x1d: {  	v1 =	vimm.f32 $0.0e+00;
	v0 =	vmov s6;
	s24 =	simm.s32 $0x4E80;
	s25 =	simm.s32 $0x9D00;
	s26 =	simm.s32 $0xBD00  }
.LBB2_1:
0x1e: {  	s2 =	rddreg [dreg:$0x8]  }
0x1f: {  	[tilespmem:s5], [sflag:$0x4] =	stream.linear.gather [hbm4b:s2+s5], $0x4E80, $0x38;
	[tilespmem:$0x1E900] =	vst v63  }
0x20: {  	_ =	swait.ge [sflag:s30], $0x4E80  }
0x21: {  	[sflag:s30] =	ssyncset.done $0x0  }
0x22: {  	s23 =	rddreg [dreg:$0x9];
	[sflag:s30] =	ssyncadd.s32 $0xFFFFB180  }
0x23: {  	[tilespmem:s24], [sflag:$0x4] =	stream.linear.gather [hbm4b:s23+s5], $0x4E80, $0x38;
	[tilespmem:$0x1E900] =	vst v63  }
0x24: {  	_ =	swait.ge [sflag:s30], $0x4E80  }
0x25: {  	[sflag:s30] =	ssyncset.done $0x0  }
0x26: {  	s7 =	simm.s32 $0x13100;
	s28 =	rddreg [dreg:$0x7];
	[sflag:s30] =	ssyncadd.s32 $0xFFFFB180  }
0x27: {  	[tilespmem:s7], [sflag:$0x4] =	stream.linear.gather [hbm4b:s28+s5], $0x400, $0x38;
	[tilespmem:$0x1E900] =	vst v63  }
0x28: {  	_ =	swait.ge [sflag:s30], $0x400  }
0x29: {  	[sflag:s30] =	ssyncset.done $0x0  }
0x2a: {  	[sflag:s30] =	ssyncadd.s32 $0xFFFFFC00  }
0x2b: {  	v2 =	vld [tilespmem:$0x0]  }
0x2c: {  	v3 =	vld [tilespmem:$0x10]  }
0x2d: {  	v4 =	vld [tilespmem:$0x20]  }
0x2e: {  	v5 =	vld [tilespmem:$0x30]  }
0x2f: {  	v6 =	vld [tilespmem:$0x40]  }
0x30: {  	v7 =	vld [tilespmem:$0x50];
	v2 =	vshll.u32 v2, $0x1  }
0x31: {  	v8 =	vld [tilespmem:$0x60];
	v3 =	vshll.u32 v3, $0x1;
	v2 =	vor.u32 v0, v2  }
0x32: {  	[tilespmem:$0x0] =	vst v2;
	v2 =	vor.u32 v0, v3;
	v3 =	vshll.u32 v4, $0x1;
	v4 =	vld [tilespmem:$0x70]  }
0x33: {  	[tilespmem:$0x10] =	vst v2;
	v2 =	vor.u32 v0, v3;
	v3 =	vshll.u32 v5, $0x1;
	v5 =	vld [tilespmem:$0x80]  }
0x34: {  	[tilespmem:$0x20] =	vst v2;
	v2 =	vor.u32 v0, v3;
	v3 =	vshll.u32 v6, $0x1;
	v6 =	vld [tilespmem:$0x90]  }
0x35: {  	[tilespmem:$0x30] =	vst v2;
	v2 =	vor.u32 v0, v3;
	v3 =	vshll.u32 v7, $0x1;
	v7 =	vld [tilespmem:$0xA0]  }
0x36: {  	[tilespmem:$0x40] =	vst v2;
	v2 =	vor.u32 v0, v3;
	v3 =	vshll.u32 v8, $0x1;
	v8 =	vld [tilespmem:$0xB0]  }
0x37: {  	[tilespmem:$0x50] =	vst v2;
	v2 =	vor.u32 v0, v3;
	v3 =	vshll.u32 v4, $0x1;
	v4 =	vld [tilespmem:$0xC0]  }
0x38: {  	[tilespmem:$0x60] =	vst v2;
	v2 =	vor.u32 v0, v3;
	v3 =	vshll.u32 v5, $0x1;
	v5 =	vld [tilespmem:$0xD0]  }
0x39: {  	[tilespmem:$0x70] =	vst v2;
	v2 =	vor.u32 v0, v3;
	v3 =	vshll.u32 v6, $0x1;
	v6 =	vld [tilespmem:$0xE0]  }
0x3a: {  	[tilespmem:$0x80] =	vst v2;
	v2 =	vor.u32 v0, v3;
	v3 =	vshll.u32 v7, $0x1;
	v7 =	vld [tilespmem:$0xF0]  }
0x3b: {  	[tilespmem:$0x90] =	vst v2;
	v2 =	vor.u32 v0, v3;
	v3 =	vshll.u32 v8, $0x1;
	v8 =	vld [tilespmem:$0x100]  }
0x3c: {  	[tilespmem:$0xA0] =	vst v2;
	v2 =	vor.u32 v0, v3;
	v3 =	vshll.u32 v4, $0x1;
	v4 =	vld [tilespmem:$0x110]  }
0x3d: {  	[tilespmem:$0xB0] =	vst v2;
	v2 =	vor.u32 v0, v3;
	v3 =	vshll.u32 v5, $0x1;
	v5 =	vld [tilespmem:$0x120]  }
0x3e: {  	[tilespmem:$0xC0] =	vst v2;
	v2 =	vor.u32 v0, v3;
	v3 =	vshll.u32 v6, $0x1;
	v6 =	vld [tilespmem:$0x130]  }
0x3f: {  	[tilespmem:$0xD0] =	vst v2;
	v2 =	vor.u32 v0, v3;
	v3 =	vshll.u32 v7, $0x1;
	v7 =	vld [tilespmem:$0x140]  }
0x40: {  	[tilespmem:$0xE0] =	vst v2;
	v2 =	vor.u32 v0, v3;
	v3 =	vshll.u32 v8, $0x1;
	v8 =	vld [tilespmem:$0x150]  }
0x41: {  	[tilespmem:$0xF0] =	vst v2;
	v2 =	vor.u32 v0, v3;
	v3 =	vshll.u32 v4, $0x1;
	v4 =	vld [tilespmem:$0x160]  }
0x42: {  	[tilespmem:$0x100] =	vst v2;
	v2 =	vor.u32 v0, v3;
	v3 =	vshll.u32 v5, $0x1;
	v5 =	vld [tilespmem:$0x170]  }
0x43: {  	[tilespmem:$0x110] =	vst v2;
	v2 =	vor.u32 v0, v3;
	v3 =	vshll.u32 v6, $0x1;
	v6 =	vld [tilespmem:$0x180]  }
0x44: {  	[tilespmem:$0x120] =	vst v2;
	v2 =	vor.u32 v0, v3;
	v3 =	vshll.u32 v7, $0x1;
	v7 =	vld [tilespmem:$0x190]  }
0x45: {  	[tilespmem:$0x130] =	vst v2;
	v2 =	vor.u32 v0, v3;
	v3 =	vshll.u32 v8, $0x1;
	v8 =	vld [tilespmem:$0x1A0]  }
0x46: {  	[tilespmem:$0x140] =	vst v2;
	v2 =	vor.u32 v0, v3;
	v3 =	vshll.u32 v4, $0x1;
	v4 =	vld [tilespmem:$0x1B0]  }
0x47: {  	[tilespmem:$0x150] =	vst v2;
	v2 =	vor.u32 v0, v3;
	v3 =	vshll.u32 v5, $0x1;
	v5 =	vld [tilespmem:$0x1C0]  }
0x48: {  	[tilespmem:$0x160] =	vst v2;
	v2 =	vor.u32 v0, v3;
	v3 =	vshll.u32 v6, $0x1;
	v6 =	vld [tilespmem:$0x1D0]  }
0x49: {  	[tilespmem:$0x170] =	vst v2;
	v2 =	vor.u32 v0, v3;
	v3 =	vshll.u32 v7, $0x1;
	v7 =	vld [tilespmem:$0x1E0]  }
0x4a: {  	[tilespmem:$0x180] =	vst v2;
	v2 =	vor.u32 v0, v3;
	v3 =	vshll.u32 v8, $0x1;
	v8 =	vld [tilespmem:$0x1F0]  }
0x4b: {  	[tilespmem:$0x190] =	vst v2;
	v2 =	vor.u32 v0, v3;
	v3 =	vshll.u32 v4, $0x1  }
0x4c: {  	[tilespmem:$0x1A0] =	vst v2;
	v2 =	vor.u32 v0, v3;
	v3 =	vshll.u32 v5, $0x1  }
0x4d: {  	[tilespmem:$0x1B0] =	vst v2;
	v2 =	vor.u32 v0, v3;
	v3 =	vshll.u32 v6, $0x1  }
0x4e: {  	[tilespmem:$0x1C0] =	vst v2;
	v2 =	vor.u32 v0, v3;
	v3 =	vshll.u32 v7, $0x1  }
0x4f: {  	[tilespmem:$0x1D0] =	vst v2;
	v2 =	vor.u32 v0, v3;
	v3 =	vshll.u32 v8, $0x1  }
0x50: {  	[tilespmem:$0x1E0] =	vst v2;
	v2 =	vor.u32 v0, v3  }
0x51: {  	[tilespmem:$0x1F0] =	vst v2  }
0x52: {  	[tilespmem:s25], [sflag:$0x1] =	stream.indirect.gather [hbm4b:s1+s0], $0x40, s5, s0, $0xb8;
	[tilespmem:$0x1E900] =	vst v63  }
0x53: {  	_ = 	snop  }
0x54: {  	[tilespmem:s26], [sflag:$0x1] =	stream.indirect.gather [hbm4b:s1+s0], $0x40, s0, s0, $0xb8;
	[tilespmem:$0x1E900] =	vst v63  }
0x55: {  	s22 =	simm.s32 $0xDD00;
	s7 =	simm.s32 $0x100  }
0x56: {  	[tilespmem:s22], [sflag:$0x1] =	stream.indirect.gather [hbm4b:s1+s0], $0x40, s7, s0, $0xb8;
	[tilespmem:$0x1E900] =	vst v63  }
0x57: {  	s31 =	simm.s32 $0x270;
	s23 =	simm.s32 $0x180;
	s28 =	simm.s32 $0xFD00  }
0x58: {  	[tilespmem:s28], [sflag:$0x1] =	stream.indirect.gather [hbm4b:s1+s0], $0x40, s23, s0, $0xb8;
	[tilespmem:$0x1E900] =	vst v63  }
0x59: {  	v2 =	vld [tilespmem:s31+$0xFFFFFF90];
	_ =	sdelay $0x1  }
0x5a: {  	v3 =	vld [tilespmem:s31+$0xFFFFFFA0]  }
0x5b: {  	v4 =	vld [tilespmem:s31+$0xFFFFFFB0]  }
0x5c: {  	v6 =	vld [tilespmem:s31+$0xFFFFFFC0]  }
0x5d: {  	v7 =	vld [tilespmem:s31+$0xFFFFFFD0];
	v2 =	vshll.u32 v2, $0x1  }
0x5e: {  	v8 =	vld [tilespmem:s31+$0xFFFFFFE0];
	v2 =	vor.u32 v0, v2  }
0x5f: {  	v9 =	vld [tilespmem:s31+$0x0];
	[tilespmem:s31+$0xFFFFFF90] =	vst v2;
	v2 =	vshll.u32 v3, $0x1  }
0x60: {  	s22 =	simm.s32 $0x2F0;
	v10 =	vld [tilespmem:s31+$0xFFFFFFF0];
	v3 =	vshll.u32 v4, $0x1;
	v2 =	vor.u32 v0, v2  }
0x61: {  	v11 =	vld [tilespmem:s22+$0xFFFFFF90];
	[tilespmem:s31+$0xFFFFFFA0] =	vst v2;
	v2 =	vor.u32 v0, v3;
	v3 =	vshll.u32 v6, $0x1  }
0x62: {  	v4 =	vshll.u32 v7, $0x1;
	v5 =	vld [tilespmem:s22+$0xFFFFFFA0];
	[tilespmem:s31+$0xFFFFFFB0] =	vst v2;
	v2 =	vor.u32 v0, v3  }
0x63: {  	v4 =	vor.u32 v0, v4;
	v6 =	vshll.u32 v8, $0x1;
	v3 =	vld [tilespmem:s22+$0xFFFFFFB0];
	[tilespmem:s31+$0xFFFFFFC0] =	vst v2  }
0x64: {  	v7 =	vshll.u32 v9, $0x1;
	v6 =	vor.u32 v0, v6;
	v2 =	vld [tilespmem:s22+$0xFFFFFFC0];
	[tilespmem:s31+$0xFFFFFFD0] =	vst v4  }
0x65: {  	v9 =	vor.u32 v0, v7;
	v8 =	vshll.u32 v10, $0x1;
	v4 =	vld [tilespmem:s22+$0xFFFFFFD0];
	[tilespmem:s31+$0xFFFFFFE0] =	vst v6  }
0x66: {  	s23 =	simm.s32 $0xDC0;
	v8 =	vor.u32 v0, v8;
	v7 =	vshll.u32 v11, $0x1;
	v6 =	vld [tilespmem:s22+$0xFFFFFFE0];
	[tilespmem:s31+$0x0] =	vst v9  }
.LBB2_2:
0x67: {  	p2 =	sne.s32 s23, $0x139C0;
	v7 =	vor.u32 v0, v7;
	v5 =	vshll.u32 v5, $0x1;
	v9 =	vld [tilespmem:s22+$0x0];
	[tilespmem:s31+$0xFFFFFFF0] =	vst v8;
	s31 =	smov.u32 s22  }
0x68: {  	s22 =	sshra.s32 s23, $0x2;
	[tilespmem:s31+$0xFFFFFF90] =	vst v7;
	v5 =	vor.u32 v0, v5;
	v3 =	vshll.u32 v3, $0x1;
	v7 =	vld [tilespmem:s31+$0xFFFFFFF0]  }
0x69: {  	v8 =	vld [tilespmem:s22+$0xFFFFFF90];
	[tilespmem:s31+$0xFFFFFFA0] =	vst v5;
	v3 =	vor.u32 v0, v3;
	v2 =	vshll.u32 v2, $0x1  }
.Ltmp0:
0x6a: {  	v5 =	vld [tilespmem:s22+$0xFFFFFFA0];
	[tilespmem:s31+$0xFFFFFFB0] =	vst v3;
	v2 =	vor.u32 v0, v2;
	v4 =	vshll.u32 v4, $0x1;
	(pc) =	sbr.rel @p2 .LBB2_2-.Ltmp0, $4  }
0x6b: {  	v3 =	vld [tilespmem:s22+$0xFFFFFFB0];
	[tilespmem:s31+$0xFFFFFFC0] =	vst v2;
	v4 =	vor.u32 v0, v4;
	v6 =	vshll.u32 v6, $0x1  }
0x6c: {  	v2 =	vld [tilespmem:s22+$0xFFFFFFC0];
	[tilespmem:s31+$0xFFFFFFD0] =	vst v4;
	v6 =	vor.u32 v0, v6;
	v9 =	vshll.u32 v9, $0x1  }
0x6d: {  	v4 =	vld [tilespmem:s22+$0xFFFFFFD0];
	[tilespmem:s31+$0xFFFFFFE0] =	vst v6;
	v10 =	vshll.u32 v7, $0x1;
	v9 =	vor.u32 v0, v9  }
0x6e: {  	s23 =	sadd.s32 $0x200, s23;
	v7 =	vshll.u32 v8, $0x1;
	v6 =	vld [tilespmem:s22+$0xFFFFFFE0];
	v8 =	vor.u32 v0, v10;
	[tilespmem:s31+$0x0] =	vst v9  }
0x6f: {  	v9 =	vld [tilespmem:s22+$0x0];
	v7 =	vor.u32 v0, v7;
	[tilespmem:s31+$0xFFFFFFF0] =	vst v8;
	v5 =	vshll.u32 v5, $0x1  }
0x70: {  	[tilespmem:s22+$0xFFFFFF90] =	vst v7;
	v5 =	vor.u32 v0, v5;
	v3 =	vshll.u32 v3, $0x1;
	v63 =	vld [tilespmem:s22+$0xFFFFFFF0]  }
0x71: {  	[tilespmem:s22+$0xFFFFFFA0] =	vst v5;
	v3 =	vor.u32 v0, v3;
	v2 =	vshll.u32 v2, $0x1  }
0x72: {  	[tilespmem:s22+$0xFFFFFFB0] =	vst v3;
	v2 =	vor.u32 v0, v2;
	v3 =	vshll.u32 v4, $0x1  }
0x73: {  	[tilespmem:s22+$0xFFFFFFC0] =	vst v2;
	v2 =	vor.u32 v0, v3;
	v3 =	vshll.u32 v6, $0x1  }
0x74: {  	[tilespmem:s22+$0xFFFFFFD0] =	vst v2;
	v2 =	vor.u32 v0, v3;
	v3 =	vshll.u32 v9, $0x1  }
0x75: {  	[tilespmem:s22+$0xFFFFFFE0] =	vst v2;
	v2 =	vshll.u32 v63, $0x1;
	v3 =	vor.u32 v0, v3  }
0x76: {  	v2 =	vor.u32 v0, v2;
	[tilespmem:s22+$0x0] =	vst v3  }
0x77: {  	s23 =	simm.s32 $0x100;
	[tilespmem:s22+$0xFFFFFFF0] =	vst v2;
	s22 =	simm.s32 $0x0  }
.LBB2_4:
0x78: {  	p2 =	sne.s32 s23, $0x4F00;
	[tilespmem:s22+$0x11D30] =	vst v1;
	s2 =	smov.u32 s23;
	s23 =	sadd.s32 $0x100, s23  }
.Ltmp1:
0x79: {  	[tilespmem:s22+$0x11D20] =	vst v1;
	(pc) =	sbr.rel @p2 .LBB2_4-.Ltmp1, $3  }
0x7a: {  	[tilespmem:s22+$0x11D00] =	vst v1  }
0x7b: {  	[tilespmem:s22+$0x11D10] =	vst v1;
	_ =	sdelay $0x1  }
0x7c: {  	s22 =	sshra.s32 s2, $0x2  }
0x7d: {  	[tilespmem:s22+$0x11D30] =	vst v1  }
0x7e: {  	[tilespmem:s22+$0x11D20] =	vst v1  }
0x7f: {  	[tilespmem:s22+$0x11D00] =	vst v1  }
0x80: {  	[tilespmem:s22+$0x11D10] =	vst v1;
	s22 =	simm.s32 $0x11D00  }
0x81: {  	[spmem:s19] =	stream.linear.scatter [tilespmem:s22], [sflag:$0x4], $0x1400, $0x38;
	[tilespmem:$0x1E900] =	vst v63  }
0x82: {  	_ =	swait.ge [sflag:s30], $0x1400  }
0x83: {  	[sflag:s30] =	ssyncset.done $0x0  }
0x84: {  	s2 =	rddreg [dreg:$0xd];
	[sflag:s30] =	ssyncadd.s32 $0xFFFFEC00  }
0x85: {  	[spmem:s2] =	stream.linear.scatter [tilespmem:s22], [sflag:$0x4], $0x1400, $0x38;
	[tilespmem:$0x1E900] =	vst v63  }
0x86: {  	_ =	swait.ge [sflag:s30], $0x1400  }
0x87: {  	[sflag:s30] =	ssyncset.done $0x0  }
0x88: {  	s28 =	rddreg [dreg:$0xe];
	[sflag:s30] =	ssyncadd.s32 $0xFFFFEC00  }
0x89: {  	[spmem:s28] =	stream.linear.scatter [tilespmem:s22], [sflag:$0x4], $0x1400, $0x38;
	[tilespmem:$0x1E900] =	vst v63  }
0x8a: {  	_ =	swait.ge [sflag:s30], $0x1400  }
0x8b: {  	[sflag:s30] =	ssyncset.done $0x0  }
0x8c: {  	s31 =	rddreg [dreg:$0xf];
	[sflag:s30] =	ssyncadd.s32 $0xFFFFEC00  }
0x8d: {  	[spmem:s31] =	stream.linear.scatter [tilespmem:s22], [sflag:$0x4], $0x1400, $0x38;
	[tilespmem:$0x1E900] =	vst v63  }
0x8e: {  	_ =	swait.ge [sflag:s30], $0x1400  }
0x8f: {  	[sflag:s30] =	ssyncset.done $0x0  }
0x90: {  	s7 =	rddreg [dreg:$0x10];
	[sflag:s30] =	ssyncadd.s32 $0xFFFFEC00  }
0x91: {  	[spmem:s7] =	stream.linear.scatter [tilespmem:s22], [sflag:$0x4], $0x1400, $0x38;
	[tilespmem:$0x1E900] =	vst v63  }
0x92: {  	_ =	swait.ge [sflag:s30], $0x1400  }
0x93: {  	[sflag:s30] =	ssyncset.done $0x0  }
0x94: {  	s23 =	rddreg [dreg:$0x11];
	[sflag:s30] =	ssyncadd.s32 $0xFFFFEC00  }
0x95: {  	[spmem:s23] =	stream.linear.scatter [tilespmem:s22], [sflag:$0x4], $0x1400, $0x38;
	[tilespmem:$0x1E900] =	vst v63  }
0x96: {  	_ =	swait.ge [sflag:s30], $0x1400  }
0x97: {  	[sflag:s30] =	ssyncset.done $0x0  }
0x98: {  	s28 =	rddreg [dreg:$0x12];
	[sflag:s30] =	ssyncadd.s32 $0xFFFFEC00  }
0x99: {  	[spmem:s28] =	stream.linear.scatter [tilespmem:s22], [sflag:$0x4], $0x1400, $0x38;
	[tilespmem:$0x1E900] =	vst v63  }
0x9a: {  	_ =	swait.ge [sflag:s30], $0x1400  }
0x9b: {  	[sflag:s30] =	ssyncset.done $0x0  }
0x9c: {  	[sflag:s30] =	ssyncadd.s32 $0xFFFFEC00  }
0x9d: {  	[spmem:s29] =	stream.linear.scatter [tilespmem:s22], [sflag:$0x4], $0x1400, $0x38;
	[tilespmem:$0x1E900] =	vst v63  }
0x9e: {  	_ =	swait.ge [sflag:s30], $0x1400  }
0x9f: {  	[sflag:s30] =	ssyncset.done $0x0  }
0xa0: {  	s2 =	simm.s32 $0x20;
	s31 =	sadd.s32 $0x0, s9;
	[sflag:s30] =	ssyncadd.s32 $0xFFFFEC00  }
0xa1: {  	[spmem:s31] =	stream.linear.scatter [tilespmem:s22], [sflag:$0x4], $0x8, $0x38;
	[tilespmem:$0x1E900] =	vst v63  }
.LBB2_6:
0xa2: {  	p2 =	sne.s32 s2, $0x9E0  }
.Ltmp2:
0xa3: {  	_ = 	snop;
	(pc) =	sbr.rel @p2 .LBB2_6-.Ltmp2, $4  }
0xa4: {  	_ = 	snop  }
0xa5: {  	s7 =	sshra.s32 s2, $0x2;
	s2 =	sadd.s32 $0x20, s2  }
0xa6: {  	s22 =	sadd.s32 $0x40, s22;
	s7 =	sadd.s32 s7, s9  }
0xa7: {  	[spmem:s7] =	stream.linear.scatter [tilespmem:s22], [sflag:$0x4], $0x8, $0x38;
	[tilespmem:$0x1E900] =	vst v63  }
0xa8: {  	_ =	swait.ge [sflag:s30], $0x280  }
0xa9: {  	[sflag:s30] =	ssyncset.done $0x0  }
0xaa: {  	s22 =	simm.s32 $0x11D00;
	s2 =	sadd.s32 $0x0, s11;
	[sflag:s30] =	ssyncadd.s32 $0xFFFFFD80  }
0xab: {  	[spmem:s2] =	stream.linear.scatter [tilespmem:s22], [sflag:$0x4], $0x8, $0x38;
	[tilespmem:$0x1E900] =	vst v63  }
0xac: {  	s2 =	simm.s32 $0x20  }
.LBB2_8:
0xad: {  	p2 =	sne.s32 s2, $0x9E0  }
.Ltmp3:
0xae: {  	_ = 	snop;
	(pc) =	sbr.rel @p2 .LBB2_8-.Ltmp3, $4  }
0xaf: {  	_ = 	snop  }
0xb0: {  	s7 =	sshra.s32 s2, $0x2;
	s2 =	sadd.s32 $0x20, s2  }
0xb1: {  	s22 =	sadd.s32 $0x40, s22;
	s7 =	sadd.s32 s7, s11  }
0xb2: {  	[spmem:s7] =	stream.linear.scatter [tilespmem:s22], [sflag:$0x4], $0x8, $0x38;
	[tilespmem:$0x1E900] =	vst v63  }
0xb3: {  	_ =	swait.ge [sflag:s30], $0x280  }
0xb4: {  	[sflag:s30] =	ssyncset.done $0x0  }
0xb5: {  	s22 =	simm.s32 $0x11D00;
	s2 =	sadd.s32 $0x0, s12;
	[sflag:s30] =	ssyncadd.s32 $0xFFFFFD80  }
0xb6: {  	[spmem:s2] =	stream.linear.scatter [tilespmem:s22], [sflag:$0x4], $0x8, $0x38;
	[tilespmem:$0x1E900] =	vst v63  }
0xb7: {  	s2 =	simm.s32 $0x20  }
.LBB2_10:
0xb8: {  	p2 =	sne.s32 s2, $0x9E0  }
.Ltmp4:
0xb9: {  	_ = 	snop;
	(pc) =	sbr.rel @p2 .LBB2_10-.Ltmp4, $4  }
0xba: {  	_ = 	snop  }
0xbb: {  	s7 =	sshra.s32 s2, $0x2;
	s2 =	sadd.s32 $0x20, s2  }
0xbc: {  	s22 =	sadd.s32 $0x40, s22;
	s7 =	sadd.s32 s7, s12  }
0xbd: {  	[spmem:s7] =	stream.linear.scatter [tilespmem:s22], [sflag:$0x4], $0x8, $0x38;
	[tilespmem:$0x1E900] =	vst v63  }
0xbe: {  	_ =	swait.ge [sflag:s30], $0x280  }
0xbf: {  	[sflag:s30] =	ssyncset.done $0x0  }
0xc0: {  	s22 =	simm.s32 $0x11D00;
	s2 =	sadd.s32 $0x0, s13;
	[sflag:s30] =	ssyncadd.s32 $0xFFFFFD80  }
0xc1: {  	[spmem:s2] =	stream.linear.scatter [tilespmem:s22], [sflag:$0x4], $0x8, $0x38;
	[tilespmem:$0x1E900] =	vst v63  }
0xc2: {  	s2 =	simm.s32 $0x20  }
.LBB2_12:
0xc3: {  	p2 =	sne.s32 s2, $0x9E0  }
.Ltmp5:
0xc4: {  	_ = 	snop;
	(pc) =	sbr.rel @p2 .LBB2_12-.Ltmp5, $4  }
0xc5: {  	_ = 	snop  }
0xc6: {  	s7 =	sshra.s32 s2, $0x2;
	s2 =	sadd.s32 $0x20, s2  }
0xc7: {  	s22 =	sadd.s32 $0x40, s22;
	s7 =	sadd.s32 s7, s13  }
0xc8: {  	[spmem:s7] =	stream.linear.scatter [tilespmem:s22], [sflag:$0x4], $0x8, $0x38;
	[tilespmem:$0x1E900] =	vst v63  }
0xc9: {  	_ =	swait.ge [sflag:s30], $0x280  }
0xca: {  	[sflag:s30] =	ssyncset.done $0x0  }
0xcb: {  	s22 =	simm.s32 $0x11D00;
	s2 =	sadd.s32 $0x0, s14;
	[sflag:s30] =	ssyncadd.s32 $0xFFFFFD80  }
0xcc: {  	[spmem:s2] =	stream.linear.scatter [tilespmem:s22], [sflag:$0x4], $0x8, $0x38;
	[tilespmem:$0x1E900] =	vst v63  }
0xcd: {  	s2 =	simm.s32 $0x20  }
.LBB2_14:
0xce: {  	p2 =	sne.s32 s2, $0x9E0  }
.Ltmp6:
0xcf: {  	_ = 	snop;
	(pc) =	sbr.rel @p2 .LBB2_14-.Ltmp6, $4  }
0xd0: {  	_ = 	snop  }
0xd1: {  	s7 =	sshra.s32 s2, $0x2;
	s2 =	sadd.s32 $0x20, s2  }
0xd2: {  	s22 =	sadd.s32 $0x40, s22;
	s7 =	sadd.s32 s7, s14  }
0xd3: {  	[spmem:s7] =	stream.linear.scatter [tilespmem:s22], [sflag:$0x4], $0x8, $0x38;
	[tilespmem:$0x1E900] =	vst v63  }
0xd4: {  	_ =	swait.ge [sflag:s30], $0x280  }
0xd5: {  	[sflag:s30] =	ssyncset.done $0x0  }
0xd6: {  	s22 =	simm.s32 $0x11D00;
	s2 =	sadd.s32 $0x0, s15;
	[sflag:s30] =	ssyncadd.s32 $0xFFFFFD80  }
0xd7: {  	[spmem:s2] =	stream.linear.scatter [tilespmem:s22], [sflag:$0x4], $0x8, $0x38;
	[tilespmem:$0x1E900] =	vst v63  }
0xd8: {  	s2 =	simm.s32 $0x20  }
.LBB2_16:
0xd9: {  	p2 =	sne.s32 s2, $0x9E0  }
.Ltmp7:
0xda: {  	_ = 	snop;
	(pc) =	sbr.rel @p2 .LBB2_16-.Ltmp7, $4  }
0xdb: {  	_ = 	snop  }
0xdc: {  	s7 =	sshra.s32 s2, $0x2;
	s2 =	sadd.s32 $0x20, s2  }
0xdd: {  	s22 =	sadd.s32 $0x40, s22;
	s7 =	sadd.s32 s7, s15  }
0xde: {  	[spmem:s7] =	stream.linear.scatter [tilespmem:s22], [sflag:$0x4], $0x8, $0x38;
	[tilespmem:$0x1E900] =	vst v63  }
0xdf: {  	_ =	swait.ge [sflag:s30], $0x280  }
0xe0: {  	[sflag:s30] =	ssyncset.done $0x0  }
0xe1: {  	s22 =	simm.s32 $0x11D00;
	s2 =	sadd.s32 $0x0, s16;
	[sflag:s30] =	ssyncadd.s32 $0xFFFFFD80  }
0xe2: {  	[spmem:s2] =	stream.linear.scatter [tilespmem:s22], [sflag:$0x4], $0x8, $0x38;
	[tilespmem:$0x1E900] =	vst v63  }
0xe3: {  	s2 =	simm.s32 $0x20  }
.LBB2_18:
0xe4: {  	p2 =	sne.s32 s2, $0x9E0  }
.Ltmp8:
0xe5: {  	_ = 	snop;
	(pc) =	sbr.rel @p2 .LBB2_18-.Ltmp8, $4  }
0xe6: {  	_ = 	snop  }
0xe7: {  	s7 =	sshra.s32 s2, $0x2;
	s2 =	sadd.s32 $0x20, s2  }
0xe8: {  	s22 =	sadd.s32 $0x40, s22;
	s7 =	sadd.s32 s7, s16  }
0xe9: {  	[spmem:s7] =	stream.linear.scatter [tilespmem:s22], [sflag:$0x4], $0x8, $0x38;
	[tilespmem:$0x1E900] =	vst v63  }
0xea: {  	_ =	swait.ge [sflag:s30], $0x280  }
0xeb: {  	[sflag:s30] =	ssyncset.done $0x0  }
0xec: {  	s22 =	simm.s32 $0x11D00;
	s2 =	sadd.s32 $0x0, s17;
	[sflag:s30] =	ssyncadd.s32 $0xFFFFFD80  }
0xed: {  	[spmem:s2] =	stream.linear.scatter [tilespmem:s22], [sflag:$0x4], $0x8, $0x38;
	[tilespmem:$0x1E900] =	vst v63  }
0xee: {  	s2 =	simm.s32 $0x20  }
.LBB2_20:
0xef: {  	p2 =	sne.s32 s2, $0x9E0  }
.Ltmp9:
0xf0: {  	_ = 	snop;
	(pc) =	sbr.rel @p2 .LBB2_20-.Ltmp9, $4  }
0xf1: {  	_ = 	snop  }
0xf2: {  	s7 =	sshra.s32 s2, $0x2;
	s2 =	sadd.s32 $0x20, s2  }
0xf3: {  	s22 =	sadd.s32 $0x40, s22;
	s7 =	sadd.s32 s7, s17  }
0xf4: {  	[spmem:s7] =	stream.linear.scatter [tilespmem:s22], [sflag:$0x4], $0x8, $0x38;
	[tilespmem:$0x1E900] =	vst v63  }
0xf5: {  	_ =	swait.ge [sflag:s30], $0x280  }
0xf6: {  	[sflag:s30] =	ssyncset.done $0x0  }
0xf7: {  	[sflag:s30] =	ssyncadd.s32 $0xFFFFFD80  }
0xf8: {  	[bflag:$0x0] =	sbarrier.arrive $0xFFFF  }
0xf9: {  	_ =	swait.ge [sflag:s8], $0x2000  }
0xfa: {  	[sflag:s8] =	ssyncset.done $0x0  }
0xfb: {  	[sflag:s8] =	ssyncadd.s32 $0xFFFFE000  }
0xfc: {  	[spmem:s3] =	stream.indirect.scatter.add.f32 [tilespmem:s25], [sflag:$0x2], $0x40, s24, s0, $0xb8;
	[tilespmem:$0x1E900] =	vst v63  }
0xfd: {  	s2 =	simm.s32 @!p0 $0x80;
	s7 =	simm.s32 @!p0 $0x4E80;
	s22 =	simm.s32 @!p0 $0x13100  }
0xfe: {  	[spmem:s4] =	stream.indirect.scatter.add.f32 @!p0 [tilespmem:s22], [sflag:$0x3], $0x8, s7, s2, $0xb8;
	[tilespmem:$0x1E900] =	vst v63  }
0xff: {  	_ =	swait.ge [sflag:s8], $0x2000  }
0x100: {  	s28 =	simm.s32 $0x2;
	p3 =	por $0x0, $0x0;
	[sflag:s8] =	ssyncset.done $0x0  }
0x101: {  	s25 =	simm.s32 $0x4F00;
	s2 =	simm.s32 @!p1 $0x80;
	[sflag:s8] =	ssyncadd.s32 $0xFFFFE000  }
0x102: {  	[spmem:s3] =	stream.indirect.scatter.add.f32 [tilespmem:s26], [sflag:$0x2], $0x40, s25, s0, $0xb8;
	[tilespmem:$0x1E900] =	vst v63  }
0x103: {  	s7 =	simm.s32 @!p1 $0x4F00;
	s22 =	simm.s32 @!p1 $0x13100;
	s26 =	simm.s32 $0x10000  }
0x104: {  	[spmem:s4] =	stream.indirect.scatter.add.f32 @!p1 [tilespmem:s22], [sflag:$0x3], $0x8, s7, s2, $0xb8;
	[tilespmem:$0x1E900] =	vst v63  }
0x105: {  	s2 =	sand.u32 $0x18000, s26;
	s22 =	simm.s32 $0x4F80;
	_ =	swait.ge [sflag:s8], $0x2000  }
0x106: {  	s7 =	sand.u32 $0x1, s28;
	s2 =	sshrl.u32 s2, $0x2;
	[sflag:s8] =	ssyncset.done $0x0  }
0x107: {  	p2 =	sne.s32 s7, s6;
	s2 =	sor.u32 $0x9D00, s2;
	[sflag:s8] =	ssyncadd.s32 $0xFFFFE000  }
0x108: {  	[spmem:s3] =	stream.indirect.scatter.add.f32 [tilespmem:s2], [sflag:$0x2], $0x40, s22, s0, $0xb8;
	[tilespmem:$0x1E900] =	vst v63  }
0x109: {  	s7 =	simm.s32 @!p2 $0x80;
	s23 =	simm.s32 @!p2 $0x13100;
	s24 =	simm.s32 @!p2 $0x3  }
0x10a: {  	[spmem:s4] =	stream.indirect.scatter.add.f32 @!p2 [tilespmem:s23], [sflag:$0x3], $0x8, s22, s7, $0xb8;
	[tilespmem:$0x1E900] =	vst v63  }
0x10b: {  	s31 =	simm.s32 $0x5000;
	s2 =	simm.s32 $0x20000;
	_ =	swait.ge @!p2 [sflag:s24], $0x400  }
0x10c: {  	s25 =	simm.s32 $0x28000;
	s2 =	sand.u32 @!p3 $0x18000, s2;
	[sflag:s24] =	ssyncset.done @!p2 $0x0  }
0x10d: {  	s23 =	simm.s32 $0x200;
	s22 =	simm.s32 $0x3;
	[sflag:s24] =	ssyncadd.s32 @!p2 $0xFFFFFC00  }
0x10e: {  	s2 =	sshrl.u32 @!p3 s2, $0x2;
	s7 =	simm.s32 @!p3 $0x80;
	_ =	swait.ge [sflag:s10], $0x2000  }
0x10f: {  	s2 =	sor.u32 @!p3 $0x9D00, s2;
	s24 =	simm.s32 $0x280;
	[sflag:s10] =	ssyncset.done $0x0  }
.LBB2_22:
0x110: {  	s26 =	sadd.s32 $0xFFFF0000, s25  }
0x111: {  	[sflag:s10] =	ssyncadd.s32 $0xFFFFE000;
	s28 =	smov.u32 s22;
	s22 =	sadd.s32 $0x1, s22  }
0x112: {  	[tilespmem:s2], [sflag:$0x1] =	stream.indirect.gather @!p3 [hbm4b:s1+s7], $0x40, s23, s7, $0xb8;
	[tilespmem:$0x1E900] =	vst v63  }
0x113: {  	s2 =	sand.u32 $0x18000, s26;
	p2 =	sne.s32 s22, $0x9D;
	_ =	swait.ge [sflag:s8], $0x2000  }
0x114: {  	s23 =	smov.u32 s24;
	s2 =	sshrl.u32 s2, $0x2;
	[sflag:s8] =	ssyncset.done $0x0  }
0x115: {  	s7 =	sand.u32 $0x1, s28;
	s2 =	sor.u32 $0x9D00, s2;
	[sflag:s8] =	ssyncadd.s32 $0xFFFFE000  }
0x116: {  	[spmem:s3] =	stream.indirect.scatter.add.f32 [tilespmem:s2], [sflag:$0x2], $0x40, s31, s0, $0xb8;
	[tilespmem:$0x1E900] =	vst v63  }
0x117: {  	p4 =	sne.s32 s7, s6  }
0x118: {  	s7 =	simm.s32 @!p4 $0x13100;
	s26 =	simm.s32 @!p4 $0x3;
	s2 =	simm.s32 @!p4 $0x80  }
0x119: {  	[spmem:s4] =	stream.indirect.scatter.add.f32 @!p4 [tilespmem:s7], [sflag:$0x3], $0x8, s31, s2, $0xb8;
	[tilespmem:$0x1E900] =	vst v63  }
.Ltmp10:
0x11a: {  	_ =	swait.ge @!p4 [sflag:s26], $0x400;
	(pc) =	sbr.rel @p2 .LBB2_22-.Ltmp10, $4  }
0x11b: {  	p3 =	sgt.u32 s28, $0x9A;
	s31 =	sadd.s32 $0x80, s31;
	[sflag:s26] =	ssyncset.done @!p4 $0x0  }
0x11c: {  	s24 =	sadd.s32 $0x80, s24;
	s2 =	sand.u32 @!p3 $0x18000, s25;
	[sflag:s26] =	ssyncadd.s32 @!p4 $0xFFFFFC00  }
0x11d: {  	s25 =	sadd.s32 $0x8000, s25;
	s2 =	sshrl.u32 @!p3 s2, $0x2;
	_ =	swait.ge [sflag:s10], $0x2000  }
0x11e: {  	s7 =	simm.s32 @!p3 $0x80;
	s2 =	sor.u32 @!p3 $0x9D00, s2;
	[sflag:s10] =	ssyncset.done $0x0  }
0x11f: {  	[sflag:s10] =	ssyncadd.s32 $0xFFFFE000  }
0x120: {  	[tilespmem:s2], [sflag:$0x1] =	stream.indirect.gather @!p3 [hbm4b:s1+s7], $0x40, s23, s7, $0xb8;
	[tilespmem:$0x1E900] =	vst v63  }
0x121: {  	_ =	swait.ge [sflag:s10], $0x2000  }
0x122: {  	[sflag:s10] =	ssyncset.done $0x0  }
0x123: {  	[sflag:s10] =	ssyncadd.s32 $0xFFFFE000  }
0x124: {  	_ =	swait.ge [sflag:s10], $0x2000  }
0x125: {  	[sflag:s10] =	ssyncset.done $0x0  }
0x126: {  	[sflag:s10] =	ssyncadd.s32 $0xFFFFE000  }
0x127: {  	_ =	swait.ge [sflag:s18], $0x400  }
0x128: {  	[sflag:s18] =	ssyncset.done $0x0  }
0x129: {  	s23 =	stileid.u32;
	[sflag:s18] =	ssyncadd.s32 $0xFFFFFC00  }
0x12a: {  	s24 =	sshrl.u32 s19, $0x3;
	s2 =	sshll.u32 s23, $0x6;
	[bflag:$0x0] =	sbarrier.arrive $0xFFFF  }
0x12b: {  	s25 =	simm.s32 $0x8;
	s2 =	sor.u32 $0x1C04, s2;
	s22 =	rddreg [dreg:$0xa]  }
0x12c: {  	[hbm:s22@s20], [sflag:s2] =	dma.strided [spmem:s24@s25], $0x1400, s8, $0x8   }
0x12d: {  	_ =	swait.ge [sflag:s30], $0x1400  }
0x12e: {  	[sflag:s30] =	ssyncset.done $0x0  }
0x12f: {  	s26 =	sshrl.u32 s9, $0x3;
	s28 =	rddreg [dreg:$0xb];
	[sflag:s30] =	ssyncadd.s32 $0xFFFFEC00  }
0x130: {  	[hbm:s28@s20], [sflag:s2] =	dma.strided [spmem:s26@s8], $0x280, s8, $0x1   }
0x131: {  	_ =	swait.ge [sflag:s30], $0x280  }
0x132: {  	s21 =	sadd.s32 $0x1, s21;
	s31 =	rddreg [dreg:$0xc]  }
0x133: {  	p2 =	sne.s32 s21, s31  }
.Ltmp11:
0x134: {  	_ = 	snop;
	(pc) =	sbr.rel @p2 .LBB2_1-.Ltmp11, $3  }
0x135: {  	_ =	sdelay $0x1  }
0x136: {  	s24 =	simm.s32 $0x4E80;
	[sflag:s30] =	ssyncset.done $0x0  }
0x137: {  	s25 =	simm.s32 $0x9D00;
	s26 =	simm.s32 $0xBD00;
	[sflag:s30] =	ssyncadd.s32 $0xFFFFFD80  }
0x138: {  	_ =	sfence.sel $0x180000  }
0x139: {  	[bflag:$0x0] =	sbarrier.arrive $0xFFFF  }
0x13a: {  	_ =	strace $0x90000047  }
0x13b: {  	s0 =	stileid.u32;
	[bflag:$0x2] =	sbarrier.arrive $0xFFFF  }
0x13c: {  	p0 =	sne.s32 s0, $0x0;
	s0 =	rddreg [dreg:$0x6]  }
0x13d: {  	s0 =	sadd.s32 @!p0 $0x100000, s0  }
0x13e: {  	[sflag:s0] =	ssyncadd.tile.s32 @!p0 $0x1;
	_ =	shalt  }
.Lfunc_end2:
_tile_overlayer_lowered:
.L_overlay_start_2:
0x13f: {  	(tag) =	ssettag $0x2  }
0x140: {  	s0 =	rddreg [dreg:$0x0];
	s2 =	stileid.u32  }
0x141: {  	s1 =	rddreg [dreg:$0x1];
	p0 =	sne.s32 s2, $0x0  }
0x142: {  	s3 =	rddreg [dreg:$0x2];
	[bflag:$0x3] =	sbarrier.arrive $0xFFFF;
	s2 =	simm.s32 @!p0 $0x1C04  }
0x143: {  	[timem:s3], [sflag:s2] =	dma.local @!p0 [hbm:s0], s1  }
0x144: {  	s0 =	simm.s32 @!p0 $0x4  }
0x145: {  	_ =	swait.ge @!p0 [sflag:s0], s1  }
0x146: {  	s1 =	ssub.s32 @!p0 $0x0, s1;
	[sflag:s0] =	ssyncset.done @!p0 $0x0  }
0x147: {  	[sflag:s0] =	ssyncadd.s32 @!p0 s1  }
0x148: {  	[bflag:$0x3] =	sbarrier.arrive $0xFFFF  }
0x149: {  	_ =	shalt  }

</sc_bundles>
